<compile_context>
chip_gen: v7x
topology: tpu7x:2x2x1
jax: 0.10.2.dev20260603
libtpu: 0.0.44.dev20260713+nightly
codegen_flags: <defaults>
</compile_context>

<pallas_src>
import functools

import jax
import jax.numpy as jnp
from jax import lax
from jax.experimental import pallas as pl
from jax.experimental.pallas import tpu as pltpu
from jax.experimental.pallas import tpu_sc as plsc

TYPE_NUM = 100
DIM = 128
N_NODES = 100000
NC = 2
NS = 16
NW = NC * NS

CHUNK = 64
NBUF = 10
N_ROUNDS = 5
SPAN = CHUNK * NBUF * N_ROUNDS
BASE_UNITS = (N_NODES - SPAN) // 8

_mesh = plsc.VectorSubcoreMesh(core_axis_name="c", subcore_axis_name="s")


@functools.partial(
    pl.kernel,
    out_type=jax.ShapeDtypeStruct((N_NODES, DIM), jnp.float32),
    mesh=_mesh,
    scratch_types=(
        [pltpu.VMEM((SPAN,), jnp.int32),
         pltpu.VMEM_SHARED((TYPE_NUM, DIM), jnp.float32)]
        + [pltpu.VMEM((CHUNK, DIM), jnp.float32) for _ in range(NBUF)]
        + [pltpu.SemaphoreType.DMA for _ in range(2 * NBUF)]
    ),
)
def _embed(idx_hbm, table_hbm, out_hbm, idx_v, table_sp, *bufs_and_sems):
    rows = bufs_and_sems[:NBUF]
    gsem = bufs_and_sems[NBUF:2 * NBUF]
    osem = bufs_and_sems[2 * NBUF:]

    sid = lax.axis_index("s")
    wid = sid * NC + lax.axis_index("c")
    base = pl.multiple_of((wid * BASE_UNITS) // (NW - 1) * 8, 8)

    @pl.when(sid == 0)
    def _():
        pltpu.sync_copy(table_hbm, table_sp)

    pltpu.sync_copy(idx_hbm.at[pl.ds(base, SPAN)], idx_v)
    plsc.subcore_barrier()

    def gather_descr(b, loff):
        return pltpu.make_async_copy(
            table_sp.at[idx_v.at[pl.ds(loff, CHUNK)]], rows[b], gsem[b])

    def out_drain(b):
        pltpu.make_async_copy(rows[b], out_hbm.at[pl.ds(0, CHUNK)],
                              osem[b]).wait()

    for b in range(NBUF):
        gather_descr(b, b * CHUNK).start()

    def round_body(g, carry):
        @pl.when(g > 0)
        def _():
            for b in range(NBUF):
                loff = pl.multiple_of((g * NBUF + b) * CHUNK, 8)
                out_drain(b)
                gather_descr(b, loff).start()

        for b in range(NBUF):
            loff = pl.multiple_of((g * NBUF + b) * CHUNK, 8)
            gather_descr(b, loff).wait()
            pltpu.make_async_copy(rows[b], out_hbm.at[pl.ds(base + loff, CHUNK)],
                                  osem[b]).start()
        return carry

    lax.fori_loop(0, N_ROUNDS, round_body, 0)

    for b in range(NBUF):
        out_drain(b)


def kernel(node_type, table):
    return _embed(node_type.astype(jnp.int32), table)

# --- scband reference (transcript-rebuilt; emitter-appended) ---
"""Pipeline reference for scband-atom-embedding-8220567405010 (READ-ONLY COPY).

The authoritative reference and input builder live on the scoring server;
editing this copy changes nothing except your own understanding.
"""

import jax, jax.numpy as jnp
import numpy as np

TYPE_NUM = 100
DIM = 128
N_NODES = 100000


def setup_inputs(seed: int = 0) -> dict:
    key = jax.random.key(seed)
    k1, k2 = jax.random.split(key)
    node_type = jax.random.randint(k1, (N_NODES,), 0, TYPE_NUM)
    table = jax.random.normal(k2, (TYPE_NUM, DIM), dtype=jnp.float32)
    # padding_idx=0: row 0 of the embedding table is zeros in torch
    table = table.at[0].set(0.0)
    return {"node_type": node_type, "table": table}


def reference(node_type, table):
    # AtomEmbedding.forward: g.ndata['node'] = self.embedding(g.ndata['node_type'])
    return jnp.take(table, node_type, axis=0)

if __name__ == "__main__":
    import jax
    _d = setup_inputs()
    print(jax.jit(kernel)(*tuple(_d.values())))

</pallas_src>

<mosaic_0001>
#map = affine_map<(d0, d1) -> (0)>
#map1 = affine_map<(d0, d1) -> (0, 0)>
module attributes {stable_mosaic.version = 14 : i64} {
  func.func @_embed(%arg0: i32, %arg1: i32, %arg2: memref<100000xi32, #tpu.memory_space<hbm>>, %arg3: memref<100x128xf32, #tpu.memory_space<hbm>>, %arg4: memref<100000x128xf32, #tpu.memory_space<hbm>>, %arg5: memref<3200xi32, #tpu.memory_space<vmem>>, %arg6: memref<100x128xf32, #tpu.memory_space<vmem_shared>>, %arg7: memref<64x128xf32, #tpu.memory_space<vmem>>, %arg8: memref<64x128xf32, #tpu.memory_space<vmem>>, %arg9: memref<64x128xf32, #tpu.memory_space<vmem>>, %arg10: memref<64x128xf32, #tpu.memory_space<vmem>>, %arg11: memref<64x128xf32, #tpu.memory_space<vmem>>, %arg12: memref<64x128xf32, #tpu.memory_space<vmem>>, %arg13: memref<64x128xf32, #tpu.memory_space<vmem>>, %arg14: memref<64x128xf32, #tpu.memory_space<vmem>>, %arg15: memref<64x128xf32, #tpu.memory_space<vmem>>, %arg16: memref<64x128xf32, #tpu.memory_space<vmem>>, %arg17: memref<!tpu.dma_semaphore, #tpu.memory_space<semaphore_mem>>, %arg18: memref<!tpu.dma_semaphore, #tpu.memory_space<semaphore_mem>>, %arg19: memref<!tpu.dma_semaphore, #tpu.memory_space<semaphore_mem>>, %arg20: memref<!tpu.dma_semaphore, #tpu.memory_space<semaphore_mem>>, %arg21: memref<!tpu.dma_semaphore, #tpu.memory_space<semaphore_mem>>, %arg22: memref<!tpu.dma_semaphore, #tpu.memory_space<semaphore_mem>>, %arg23: memref<!tpu.dma_semaphore, #tpu.memory_space<semaphore_mem>>, %arg24: memref<!tpu.dma_semaphore, #tpu.memory_space<semaphore_mem>>, %arg25: memref<!tpu.dma_semaphore, #tpu.memory_space<semaphore_mem>>, %arg26: memref<!tpu.dma_semaphore, #tpu.memory_space<semaphore_mem>>, %arg27: memref<!tpu.dma_semaphore, #tpu.memory_space<semaphore_mem>>, %arg28: memref<!tpu.dma_semaphore, #tpu.memory_space<semaphore_mem>>, %arg29: memref<!tpu.dma_semaphore, #tpu.memory_space<semaphore_mem>>, %arg30: memref<!tpu.dma_semaphore, #tpu.memory_space<semaphore_mem>>, %arg31: memref<!tpu.dma_semaphore, #tpu.memory_space<semaphore_mem>>, %arg32: memref<!tpu.dma_semaphore, #tpu.memory_space<semaphore_mem>>, %arg33: memref<!tpu.dma_semaphore, #tpu.memory_space<semaphore_mem>>, %arg34: memref<!tpu.dma_semaphore, #tpu.memory_space<semaphore_mem>>, %arg35: memref<!tpu.dma_semaphore, #tpu.memory_space<semaphore_mem>>, %arg36: memref<!tpu.dma_semaphore, #tpu.memory_space<semaphore_mem>>) attributes {dimension_semantics = [#tpu.dimension_semantics<core_parallel>, #tpu.dimension_semantics<subcore_parallel>], iteration_bounds = array<i64: 2, 16>, scalar_prefetch = 0 : i64, scratch_operands = 32 : i64, tpu.core_type = #tpu.core_type<sc_vector_subcore>, window_params = [{transform_indices = #map}, {transform_indices = #map1}, {transform_indices = #map1}]} {
    %mul3A = arith.constant 2 : i32
    %mul3A_0 = arith.muli %arg1, %mul3A : i32
    %add3A = arith.addi %mul3A_0, %arg0 : i32
    %mul3A_1 = arith.constant 12100 : i32
    %mul3A_2 = arith.muli %add3A, %mul3A_1 : i32
    %jit3A = arith.constant 31 : i32
    %div3A = arith.divsi %mul3A_2, %jit3A : i32
    %sign3A = arith.constant 0 : i32
    %sign3A_3 = arith.cmpi sgt, %mul3A_2, %sign3A : i32
    %sign3A_4 = arith.extui %sign3A_3 : i1 to i32
    %sign3A_5 = arith.constant 0 : i32
    %sign3A_6 = arith.cmpi slt, %mul3A_2, %sign3A_5 : i32
    %sign3A_7 = arith.extui %sign3A_6 : i1 to i32
    %sign3A_8 = arith.subi %sign3A_4, %sign3A_7 : i32
    %sign3A_9 = arith.constant 0 : i32
    %sign3A_10 = arith.cmpi sgt, %jit3A, %sign3A_9 : i32
    %sign3A_11 = arith.extui %sign3A_10 : i1 to i32
    %sign3A_12 = arith.constant 0 : i32
    %sign3A_13 = arith.cmpi slt, %jit3A, %sign3A_12 : i32
    %sign3A_14 = arith.extui %sign3A_13 : i1 to i32
    %sign3A_15 = arith.subi %sign3A_11, %sign3A_14 : i32
    %ne3A = arith.cmpi ne, %sign3A_8, %sign3A_15 : i32
    %rem3A = arith.remsi %mul3A_2, %jit3A : i32
    %ne3A_16 = arith.constant 0 : i32
    %ne3A_17 = arith.cmpi ne, %rem3A, %ne3A_16 : i32
    %and3A = arith.andi %ne3A, %ne3A_17 : i1
    %sub3A = arith.constant 1 : i32
    %sub3A_18 = arith.subi %div3A, %sub3A : i32
    %select_n3A = arith.select %and3A, %sub3A_18, %div3A : i32
    %mul3A_19 = arith.constant 8 : i32
    %mul3A_20 = arith.muli %select_n3A, %mul3A_19 : i32
    %multiple_of3A = tpu.assume_multiple %mul3A_20, 8 : i32
    %eq3A = arith.constant 0 : i32
    %eq3A_21 = arith.cmpi eq, %arg1, %eq3A : i32
    %convert_element_type3A = arith.extui %eq3A_21 : i1 to i32
    %cond3A = arith.constant 0 : i32
    %cond3A_22 = arith.cmpi ne, %convert_element_type3A, %cond3A : i32
    scf.if %cond3A_22 {
      "tpu.region"() ({
        %run_scoped3A = tpu.sem_alloc : memref<!tpu.dma_semaphore, #tpu.memory_space<semaphore_mem>>
        tpu.enqueue_dma source(%arg3 : memref<100x128xf32, #tpu.memory_space<hbm>>) target(%arg6 : memref<100x128xf32, #tpu.memory_space<vmem_shared>>) target_semaphore(%run_scoped3A : memref<!tpu.dma_semaphore, #tpu.memory_space<semaphore_mem>>)
        tpu.wait_dma2 semaphore(%run_scoped3A : memref<!tpu.dma_semaphore, #tpu.memory_space<semaphore_mem>>) src(%arg3 : memref<100x128xf32, #tpu.memory_space<hbm>>) dst(%arg6 : memref<100x128xf32, #tpu.memory_space<vmem_shared>>)
        tpu.yield
      }) : () -> ()
    } else {
    }
    "tpu.region"() ({
      %run_scoped3A = tpu.sem_alloc : memref<!tpu.dma_semaphore, #tpu.memory_space<semaphore_mem>>
      %dma_start3A_136 = tpu.memref_slice %arg2[%multiple_of3A] : memref<100000xi32, #tpu.memory_space<hbm>> -> memref<3200xi32, #tpu.memory_space<hbm>>
      %dma_start3A_137 = tpu.memref_slice %arg2[%multiple_of3A] : memref<100000xi32, #tpu.memory_space<hbm>> -> memref<3200xi32, #tpu.memory_space<hbm>>
      tpu.enqueue_dma source(%dma_start3A_137 : memref<3200xi32, #tpu.memory_space<hbm>>) target(%arg5 : memref<3200xi32, #tpu.memory_space<vmem>>) target_semaphore(%run_scoped3A : memref<!tpu.dma_semaphore, #tpu.memory_space<semaphore_mem>>)
      %dma_wait3A_138 = tpu.memref_slice %arg2[%multiple_of3A] : memref<100000xi32, #tpu.memory_space<hbm>> -> memref<3200xi32, #tpu.memory_space<hbm>>
      %dma_wait3A_139 = tpu.memref_slice %arg2[%multiple_of3A] : memref<100000xi32, #tpu.memory_space<hbm>> -> memref<3200xi32, #tpu.memory_space<hbm>>
      tpu.wait_dma2 semaphore(%run_scoped3A : memref<!tpu.dma_semaphore, #tpu.memory_space<semaphore_mem>>) src(%dma_wait3A_139 : memref<3200xi32, #tpu.memory_space<hbm>>) dst(%arg5 : memref<3200xi32, #tpu.memory_space<vmem>>)
      tpu.yield
    }) : () -> ()
    %barrier3A = arith.constant 0 : index
    tpu.barrier barrier_id(%barrier3A)
    %dma_start3A = arith.constant 0 : i32
    %dma_start3A_23 = tpu.memref_slice %arg5[%dma_start3A] : memref<3200xi32, #tpu.memory_space<vmem>> -> memref<64xi32, #tpu.memory_space<vmem>>
    %dma_start3A_24 = arith.constant 0 : i32
    %dma_start3A_25 = arith.constant 0 : i32
    %dma_start3A_26 = tpu.memref_slice %arg6[%dma_start3A_24, %dma_start3A_25] : memref<100x128xf32, #tpu.memory_space<vmem_shared>> -> memref<100x128xf32, #tpu.memory_space<vmem_shared>>
    tpu.enqueue_indirect_dma source(%dma_start3A_26 : memref<100x128xf32, #tpu.memory_space<vmem_shared>>) target(%arg7 : memref<64x128xf32, #tpu.memory_space<vmem>>) offsets(%dma_start3A_23 : memref<64xi32, #tpu.memory_space<vmem>>) semaphore(%arg17 : memref<!tpu.dma_semaphore, #tpu.memory_space<semaphore_mem>>)
    %dma_start3A_27 = arith.constant 64 : i32
    %dma_start3A_28 = tpu.memref_slice %arg5[%dma_start3A_27] : memref<3200xi32, #tpu.memory_space<vmem>> -> memref<64xi32, #tpu.memory_space<vmem>>
    %dma_start3A_29 = arith.constant 0 : i32
    %dma_start3A_30 = arith.constant 0 : i32
    %dma_start3A_31 = tpu.memref_slice %arg6[%dma_start3A_29, %dma_start3A_30] : memref<100x128xf32, #tpu.memory_space<vmem_shared>> -> memref<100x128xf32, #tpu.memory_space<vmem_shared>>
    tpu.enqueue_indirect_dma source(%dma_start3A_31 : memref<100x128xf32, #tpu.memory_space<vmem_shared>>) target(%arg8 : memref<64x128xf32, #tpu.memory_space<vmem>>) offsets(%dma_start3A_28 : memref<64xi32, #tpu.memory_space<vmem>>) semaphore(%arg18 : memref<!tpu.dma_semaphore, #tpu.memory_space<semaphore_mem>>)
    %dma_start3A_32 = arith.constant 128 : i32
    %dma_start3A_33 = tpu.memref_slice %arg5[%dma_start3A_32] : memref<3200xi32, #tpu.memory_space<vmem>> -> memref<64xi32, #tpu.memory_space<vmem>>
    %dma_start3A_34 = arith.constant 0 : i32
    %dma_start3A_35 = arith.constant 0 : i32
    %dma_start3A_36 = tpu.memref_slice %arg6[%dma_start3A_34, %dma_start3A_35] : memref<100x128xf32, #tpu.memory_space<vmem_shared>> -> memref<100x128xf32, #tpu.memory_space<vmem_shared>>
    tpu.enqueue_indirect_dma source(%dma_start3A_36 : memref<100x128xf32, #tpu.memory_space<vmem_shared>>) target(%arg9 : memref<64x128xf32, #tpu.memory_space<vmem>>) offsets(%dma_start3A_33 : memref<64xi32, #tpu.memory_space<vmem>>) semaphore(%arg19 : memref<!tpu.dma_semaphore, #tpu.memory_space<semaphore_mem>>)
    %dma_start3A_37 = arith.constant 192 : i32
    %dma_start3A_38 = tpu.memref_slice %arg5[%dma_start3A_37] : memref<3200xi32, #tpu.memory_space<vmem>> -> memref<64xi32, #tpu.memory_space<vmem>>
    %dma_start3A_39 = arith.constant 0 : i32
    %dma_start3A_40 = arith.constant 0 : i32
    %dma_start3A_41 = tpu.memref_slice %arg6[%dma_start3A_39, %dma_start3A_40] : memref<100x128xf32, #tpu.memory_space<vmem_shared>> -> memref<100x128xf32, #tpu.memory_space<vmem_shared>>
    tpu.enqueue_indirect_dma source(%dma_start3A_41 : memref<100x128xf32, #tpu.memory_space<vmem_shared>>) target(%arg10 : memref<64x128xf32, #tpu.memory_space<vmem>>) offsets(%dma_start3A_38 : memref<64xi32, #tpu.memory_space<vmem>>) semaphore(%arg20 : memref<!tpu.dma_semaphore, #tpu.memory_space<semaphore_mem>>)
    %dma_start3A_42 = arith.constant 256 : i32
    %dma_start3A_43 = tpu.memref_slice %arg5[%dma_start3A_42] : memref<3200xi32, #tpu.memory_space<vmem>> -> memref<64xi32, #tpu.memory_space<vmem>>
    %dma_start3A_44 = arith.constant 0 : i32
    %dma_start3A_45 = arith.constant 0 : i32
    %dma_start3A_46 = tpu.memref_slice %arg6[%dma_start3A_44, %dma_start3A_45] : memref<100x128xf32, #tpu.memory_space<vmem_shared>> -> memref<100x128xf32, #tpu.memory_space<vmem_shared>>
    tpu.enqueue_indirect_dma source(%dma_start3A_46 : memref<100x128xf32, #tpu.memory_space<vmem_shared>>) target(%arg11 : memref<64x128xf32, #tpu.memory_space<vmem>>) offsets(%dma_start3A_43 : memref<64xi32, #tpu.memory_space<vmem>>) semaphore(%arg21 : memref<!tpu.dma_semaphore, #tpu.memory_space<semaphore_mem>>)
    %dma_start3A_47 = arith.constant 320 : i32
    %dma_start3A_48 = tpu.memref_slice %arg5[%dma_start3A_47] : memref<3200xi32, #tpu.memory_space<vmem>> -> memref<64xi32, #tpu.memory_space<vmem>>
    %dma_start3A_49 = arith.constant 0 : i32
    %dma_start3A_50 = arith.constant 0 : i32
    %dma_start3A_51 = tpu.memref_slice %arg6[%dma_start3A_49, %dma_start3A_50] : memref<100x128xf32, #tpu.memory_space<vmem_shared>> -> memref<100x128xf32, #tpu.memory_space<vmem_shared>>
    tpu.enqueue_indirect_dma source(%dma_start3A_51 : memref<100x128xf32, #tpu.memory_space<vmem_shared>>) target(%arg12 : memref<64x128xf32, #tpu.memory_space<vmem>>) offsets(%dma_start3A_48 : memref<64xi32, #tpu.memory_space<vmem>>) semaphore(%arg22 : memref<!tpu.dma_semaphore, #tpu.memory_space<semaphore_mem>>)
    %dma_start3A_52 = arith.constant 384 : i32
    %dma_start3A_53 = tpu.memref_slice %arg5[%dma_start3A_52] : memref<3200xi32, #tpu.memory_space<vmem>> -> memref<64xi32, #tpu.memory_space<vmem>>
    %dma_start3A_54 = arith.constant 0 : i32
    %dma_start3A_55 = arith.constant 0 : i32
    %dma_start3A_56 = tpu.memref_slice %arg6[%dma_start3A_54, %dma_start3A_55] : memref<100x128xf32, #tpu.memory_space<vmem_shared>> -> memref<100x128xf32, #tpu.memory_space<vmem_shared>>
    tpu.enqueue_indirect_dma source(%dma_start3A_56 : memref<100x128xf32, #tpu.memory_space<vmem_shared>>) target(%arg13 : memref<64x128xf32, #tpu.memory_space<vmem>>) offsets(%dma_start3A_53 : memref<64xi32, #tpu.memory_space<vmem>>) semaphore(%arg23 : memref<!tpu.dma_semaphore, #tpu.memory_space<semaphore_mem>>)
    %dma_start3A_57 = arith.constant 448 : i32
    %dma_start3A_58 = tpu.memref_slice %arg5[%dma_start3A_57] : memref<3200xi32, #tpu.memory_space<vmem>> -> memref<64xi32, #tpu.memory_space<vmem>>
    %dma_start3A_59 = arith.constant 0 : i32
    %dma_start3A_60 = arith.constant 0 : i32
    %dma_start3A_61 = tpu.memref_slice %arg6[%dma_start3A_59, %dma_start3A_60] : memref<100x128xf32, #tpu.memory_space<vmem_shared>> -> memref<100x128xf32, #tpu.memory_space<vmem_shared>>
    tpu.enqueue_indirect_dma source(%dma_start3A_61 : memref<100x128xf32, #tpu.memory_space<vmem_shared>>) target(%arg14 : memref<64x128xf32, #tpu.memory_space<vmem>>) offsets(%dma_start3A_58 : memref<64xi32, #tpu.memory_space<vmem>>) semaphore(%arg24 : memref<!tpu.dma_semaphore, #tpu.memory_space<semaphore_mem>>)
    %dma_start3A_62 = arith.constant 512 : i32
    %dma_start3A_63 = tpu.memref_slice %arg5[%dma_start3A_62] : memref<3200xi32, #tpu.memory_space<vmem>> -> memref<64xi32, #tpu.memory_space<vmem>>
    %dma_start3A_64 = arith.constant 0 : i32
    %dma_start3A_65 = arith.constant 0 : i32
    %dma_start3A_66 = tpu.memref_slice %arg6[%dma_start3A_64, %dma_start3A_65] : memref<100x128xf32, #tpu.memory_space<vmem_shared>> -> memref<100x128xf32, #tpu.memory_space<vmem_shared>>
    tpu.enqueue_indirect_dma source(%dma_start3A_66 : memref<100x128xf32, #tpu.memory_space<vmem_shared>>) target(%arg15 : memref<64x128xf32, #tpu.memory_space<vmem>>) offsets(%dma_start3A_63 : memref<64xi32, #tpu.memory_space<vmem>>) semaphore(%arg25 : memref<!tpu.dma_semaphore, #tpu.memory_space<semaphore_mem>>)
    %dma_start3A_67 = arith.constant 576 : i32
    %dma_start3A_68 = tpu.memref_slice %arg5[%dma_start3A_67] : memref<3200xi32, #tpu.memory_space<vmem>> -> memref<64xi32, #tpu.memory_space<vmem>>
    %dma_start3A_69 = arith.constant 0 : i32
    %dma_start3A_70 = arith.constant 0 : i32
    %dma_start3A_71 = tpu.memref_slice %arg6[%dma_start3A_69, %dma_start3A_70] : memref<100x128xf32, #tpu.memory_space<vmem_shared>> -> memref<100x128xf32, #tpu.memory_space<vmem_shared>>
    tpu.enqueue_indirect_dma source(%dma_start3A_71 : memref<100x128xf32, #tpu.memory_space<vmem_shared>>) target(%arg16 : memref<64x128xf32, #tpu.memory_space<vmem>>) offsets(%dma_start3A_68 : memref<64xi32, #tpu.memory_space<vmem>>) semaphore(%arg26 : memref<!tpu.dma_semaphore, #tpu.memory_space<semaphore_mem>>)
    %scan3A = arith.constant 0 : i32
    %scan3A_72 = arith.constant 0 : i32
    %scan3A_73 = arith.constant 5 : i32
    %scan3A_74 = arith.addi %scan3A_72, %scan3A_73 : i32
    %scan3A_75 = arith.constant 1 : i32
    scf.for %scan3A_136 = %scan3A_72 to %scan3A_74 step %scan3A_75  : i32 {
      %gt3A = arith.constant 0 : i32
      %gt3A_137 = arith.cmpi sgt, %scan3A_136, %gt3A : i32
      %convert_element_type3A_138 = arith.extui %gt3A_137 : i1 to i32
      %cond3A_139 = arith.constant 0 : i32
      %cond3A_140 = arith.cmpi ne, %convert_element_type3A_138, %cond3A_139 : i32
      scf.if %cond3A_140 {
        %mul3A_301 = arith.constant 10 : i32
        %mul3A_302 = arith.muli %scan3A_136, %mul3A_301 : i32
        %add3A_303 = arith.constant 0 : i32
        %add3A_304 = arith.addi %mul3A_302, %add3A_303 : i32
        %mul3A_305 = arith.constant 64 : i32
        %mul3A_306 = arith.muli %add3A_304, %mul3A_305 : i32
        %multiple_of3A_307 = tpu.assume_multiple %mul3A_306, 8 : i32
        %dma_wait3A_308 = arith.constant 0 : i32
        %dma_wait3A_309 = arith.constant 0 : i32
        %dma_wait3A_310 = tpu.memref_slice %arg4[%dma_wait3A_308, %dma_wait3A_309] : memref<100000x128xf32, #tpu.memory_space<hbm>> -> memref<64x128xf32, #tpu.memory_space<hbm>>
        %dma_wait3A_311 = arith.constant 0 : i32
        %dma_wait3A_312 = arith.constant 0 : i32
        %dma_wait3A_313 = tpu.memref_slice %arg4[%dma_wait3A_311, %dma_wait3A_312] : memref<100000x128xf32, #tpu.memory_space<hbm>> -> memref<64x128xf32, #tpu.memory_space<hbm>>
        tpu.wait_dma2 semaphore(%arg27 : memref<!tpu.dma_semaphore, #tpu.memory_space<semaphore_mem>>) src(%arg7 : memref<64x128xf32, #tpu.memory_space<vmem>>) dst(%dma_wait3A_313 : memref<64x128xf32, #tpu.memory_space<hbm>>)
        %dma_start3A_314 = tpu.memref_slice %arg5[%multiple_of3A_307] : memref<3200xi32, #tpu.memory_space<vmem>> -> memref<64xi32, #tpu.memory_space<vmem>>
        %dma_start3A_315 = arith.constant 0 : i32
        %dma_start3A_316 = arith.constant 0 : i32
        %dma_start3A_317 = tpu.memref_slice %arg6[%dma_start3A_315, %dma_start3A_316] : memref<100x128xf32, #tpu.memory_space<vmem_shared>> -> memref<100x128xf32, #tpu.memory_space<vmem_shared>>
        tpu.enqueue_indirect_dma source(%dma_start3A_317 : memref<100x128xf32, #tpu.memory_space<vmem_shared>>) target(%arg7 : memref<64x128xf32, #tpu.memory_space<vmem>>) offsets(%dma_start3A_314 : memref<64xi32, #tpu.memory_space<vmem>>) semaphore(%arg17 : memref<!tpu.dma_semaphore, #tpu.memory_space<semaphore_mem>>)
        %mul3A_318 = arith.constant 10 : i32
        %mul3A_319 = arith.muli %scan3A_136, %mul3A_318 : i32
        %add3A_320 = arith.constant 1 : i32
        %add3A_321 = arith.addi %mul3A_319, %add3A_320 : i32
        %mul3A_322 = arith.constant 64 : i32
        %mul3A_323 = arith.muli %add3A_321, %mul3A_322 : i32
        %multiple_of3A_324 = tpu.assume_multiple %mul3A_323, 8 : i32
        %dma_wait3A_325 = arith.constant 0 : i32
        %dma_wait3A_326 = arith.constant 0 : i32
        %dma_wait3A_327 = tpu.memref_slice %arg4[%dma_wait3A_325, %dma_wait3A_326] : memref<100000x128xf32, #tpu.memory_space<hbm>> -> memref<64x128xf32, #tpu.memory_space<hbm>>
        %dma_wait3A_328 = arith.constant 0 : i32
        %dma_wait3A_329 = arith.constant 0 : i32
        %dma_wait3A_330 = tpu.memref_slice %arg4[%dma_wait3A_328, %dma_wait3A_329] : memref<100000x128xf32, #tpu.memory_space<hbm>> -> memref<64x128xf32, #tpu.memory_space<hbm>>
        tpu.wait_dma2 semaphore(%arg28 : memref<!tpu.dma_semaphore, #tpu.memory_space<semaphore_mem>>) src(%arg8 : memref<64x128xf32, #tpu.memory_space<vmem>>) dst(%dma_wait3A_330 : memref<64x128xf32, #tpu.memory_space<hbm>>)
        %dma_start3A_331 = tpu.memref_slice %arg5[%multiple_of3A_324] : memref<3200xi32, #tpu.memory_space<vmem>> -> memref<64xi32, #tpu.memory_space<vmem>>
        %dma_start3A_332 = arith.constant 0 : i32
        %dma_start3A_333 = arith.constant 0 : i32
        %dma_start3A_334 = tpu.memref_slice %arg6[%dma_start3A_332, %dma_start3A_333] : memref<100x128xf32, #tpu.memory_space<vmem_shared>> -> memref<100x128xf32, #tpu.memory_space<vmem_shared>>
        tpu.enqueue_indirect_dma source(%dma_start3A_334 : memref<100x128xf32, #tpu.memory_space<vmem_shared>>) target(%arg8 : memref<64x128xf32, #tpu.memory_space<vmem>>) offsets(%dma_start3A_331 : memref<64xi32, #tpu.memory_space<vmem>>) semaphore(%arg18 : memref<!tpu.dma_semaphore, #tpu.memory_space<semaphore_mem>>)
        %mul3A_335 = arith.constant 10 : i32
        %mul3A_336 = arith.muli %scan3A_136, %mul3A_335 : i32
        %add3A_337 = arith.constant 2 : i32
        %add3A_338 = arith.addi %mul3A_336, %add3A_337 : i32
        %mul3A_339 = arith.constant 64 : i32
        %mul3A_340 = arith.muli %add3A_338, %mul3A_339 : i32
        %multiple_of3A_341 = tpu.assume_multiple %mul3A_340, 8 : i32
        %dma_wait3A_342 = arith.constant 0 : i32
        %dma_wait3A_343 = arith.constant 0 : i32
        %dma_wait3A_344 = tpu.memref_slice %arg4[%dma_wait3A_342, %dma_wait3A_343] : memref<100000x128xf32, #tpu.memory_space<hbm>> -> memref<64x128xf32, #tpu.memory_space<hbm>>
        %dma_wait3A_345 = arith.constant 0 : i32
        %dma_wait3A_346 = arith.constant 0 : i32
        %dma_wait3A_347 = tpu.memref_slice %arg4[%dma_wait3A_345, %dma_wait3A_346] : memref<100000x128xf32, #tpu.memory_space<hbm>> -> memref<64x128xf32, #tpu.memory_space<hbm>>
        tpu.wait_dma2 semaphore(%arg29 : memref<!tpu.dma_semaphore, #tpu.memory_space<semaphore_mem>>) src(%arg9 : memref<64x128xf32, #tpu.memory_space<vmem>>) dst(%dma_wait3A_347 : memref<64x128xf32, #tpu.memory_space<hbm>>)
        %dma_start3A_348 = tpu.memref_slice %arg5[%multiple_of3A_341] : memref<3200xi32, #tpu.memory_space<vmem>> -> memref<64xi32, #tpu.memory_space<vmem>>
        %dma_start3A_349 = arith.constant 0 : i32
        %dma_start3A_350 = arith.constant 0 : i32
        %dma_start3A_351 = tpu.memref_slice %arg6[%dma_start3A_349, %dma_start3A_350] : memref<100x128xf32, #tpu.memory_space<vmem_shared>> -> memref<100x128xf32, #tpu.memory_space<vmem_shared>>
        tpu.enqueue_indirect_dma source(%dma_start3A_351 : memref<100x128xf32, #tpu.memory_space<vmem_shared>>) target(%arg9 : memref<64x128xf32, #tpu.memory_space<vmem>>) offsets(%dma_start3A_348 : memref<64xi32, #tpu.memory_space<vmem>>) semaphore(%arg19 : memref<!tpu.dma_semaphore, #tpu.memory_space<semaphore_mem>>)
        %mul3A_352 = arith.constant 10 : i32
        %mul3A_353 = arith.muli %scan3A_136, %mul3A_352 : i32
        %add3A_354 = arith.constant 3 : i32
        %add3A_355 = arith.addi %mul3A_353, %add3A_354 : i32
        %mul3A_356 = arith.constant 64 : i32
        %mul3A_357 = arith.muli %add3A_355, %mul3A_356 : i32
        %multiple_of3A_358 = tpu.assume_multiple %mul3A_357, 8 : i32
        %dma_wait3A_359 = arith.constant 0 : i32
        %dma_wait3A_360 = arith.constant 0 : i32
        %dma_wait3A_361 = tpu.memref_slice %arg4[%dma_wait3A_359, %dma_wait3A_360] : memref<100000x128xf32, #tpu.memory_space<hbm>> -> memref<64x128xf32, #tpu.memory_space<hbm>>
        %dma_wait3A_362 = arith.constant 0 : i32
        %dma_wait3A_363 = arith.constant 0 : i32
        %dma_wait3A_364 = tpu.memref_slice %arg4[%dma_wait3A_362, %dma_wait3A_363] : memref<100000x128xf32, #tpu.memory_space<hbm>> -> memref<64x128xf32, #tpu.memory_space<hbm>>
        tpu.wait_dma2 semaphore(%arg30 : memref<!tpu.dma_semaphore, #tpu.memory_space<semaphore_mem>>) src(%arg10 : memref<64x128xf32, #tpu.memory_space<vmem>>) dst(%dma_wait3A_364 : memref<64x128xf32, #tpu.memory_space<hbm>>)
        %dma_start3A_365 = tpu.memref_slice %arg5[%multiple_of3A_358] : memref<3200xi32, #tpu.memory_space<vmem>> -> memref<64xi32, #tpu.memory_space<vmem>>
        %dma_start3A_366 = arith.constant 0 : i32
        %dma_start3A_367 = arith.constant 0 : i32
        %dma_start3A_368 = tpu.memref_slice %arg6[%dma_start3A_366, %dma_start3A_367] : memref<100x128xf32, #tpu.memory_space<vmem_shared>> -> memref<100x128xf32, #tpu.memory_space<vmem_shared>>
        tpu.enqueue_indirect_dma source(%dma_start3A_368 : memref<100x128xf32, #tpu.memory_space<vmem_shared>>) target(%arg10 : memref<64x128xf32, #tpu.memory_space<vmem>>) offsets(%dma_start3A_365 : memref<64xi32, #tpu.memory_space<vmem>>) semaphore(%arg20 : memref<!tpu.dma_semaphore, #tpu.memory_space<semaphore_mem>>)
        %mul3A_369 = arith.constant 10 : i32
        %mul3A_370 = arith.muli %scan3A_136, %mul3A_369 : i32
        %add3A_371 = arith.constant 4 : i32
        %add3A_372 = arith.addi %mul3A_370, %add3A_371 : i32
        %mul3A_373 = arith.constant 64 : i32
        %mul3A_374 = arith.muli %add3A_372, %mul3A_373 : i32
        %multiple_of3A_375 = tpu.assume_multiple %mul3A_374, 8 : i32
        %dma_wait3A_376 = arith.constant 0 : i32
        %dma_wait3A_377 = arith.constant 0 : i32
        %dma_wait3A_378 = tpu.memref_slice %arg4[%dma_wait3A_376, %dma_wait3A_377] : memref<100000x128xf32, #tpu.memory_space<hbm>> -> memref<64x128xf32, #tpu.memory_space<hbm>>
        %dma_wait3A_379 = arith.constant 0 : i32
        %dma_wait3A_380 = arith.constant 0 : i32
        %dma_wait3A_381 = tpu.memref_slice %arg4[%dma_wait3A_379, %dma_wait3A_380] : memref<100000x128xf32, #tpu.memory_space<hbm>> -> memref<64x128xf32, #tpu.memory_space<hbm>>
        tpu.wait_dma2 semaphore(%arg31 : memref<!tpu.dma_semaphore, #tpu.memory_space<semaphore_mem>>) src(%arg11 : memref<64x128xf32, #tpu.memory_space<vmem>>) dst(%dma_wait3A_381 : memref<64x128xf32, #tpu.memory_space<hbm>>)
        %dma_start3A_382 = tpu.memref_slice %arg5[%multiple_of3A_375] : memref<3200xi32, #tpu.memory_space<vmem>> -> memref<64xi32, #tpu.memory_space<vmem>>
        %dma_start3A_383 = arith.constant 0 : i32
        %dma_start3A_384 = arith.constant 0 : i32
        %dma_start3A_385 = tpu.memref_slice %arg6[%dma_start3A_383, %dma_start3A_384] : memref<100x128xf32, #tpu.memory_space<vmem_shared>> -> memref<100x128xf32, #tpu.memory_space<vmem_shared>>
        tpu.enqueue_indirect_dma source(%dma_start3A_385 : memref<100x128xf32, #tpu.memory_space<vmem_shared>>) target(%arg11 : memref<64x128xf32, #tpu.memory_space<vmem>>) offsets(%dma_start3A_382 : memref<64xi32, #tpu.memory_space<vmem>>) semaphore(%arg21 : memref<!tpu.dma_semaphore, #tpu.memory_space<semaphore_mem>>)
        %mul3A_386 = arith.constant 10 : i32
        %mul3A_387 = arith.muli %scan3A_136, %mul3A_386 : i32
        %add3A_388 = arith.constant 5 : i32
        %add3A_389 = arith.addi %mul3A_387, %add3A_388 : i32
        %mul3A_390 = arith.constant 64 : i32
        %mul3A_391 = arith.muli %add3A_389, %mul3A_390 : i32
        %multiple_of3A_392 = tpu.assume_multiple %mul3A_391, 8 : i32
        %dma_wait3A_393 = arith.constant 0 : i32
        %dma_wait3A_394 = arith.constant 0 : i32
        %dma_wait3A_395 = tpu.memref_slice %arg4[%dma_wait3A_393, %dma_wait3A_394] : memref<100000x128xf32, #tpu.memory_space<hbm>> -> memref<64x128xf32, #tpu.memory_space<hbm>>
        %dma_wait3A_396 = arith.constant 0 : i32
        %dma_wait3A_397 = arith.constant 0 : i32
        %dma_wait3A_398 = tpu.memref_slice %arg4[%dma_wait3A_396, %dma_wait3A_397] : memref<100000x128xf32, #tpu.memory_space<hbm>> -> memref<64x128xf32, #tpu.memory_space<hbm>>
        tpu.wait_dma2 semaphore(%arg32 : memref<!tpu.dma_semaphore, #tpu.memory_space<semaphore_mem>>) src(%arg12 : memref<64x128xf32, #tpu.memory_space<vmem>>) dst(%dma_wait3A_398 : memref<64x128xf32, #tpu.memory_space<hbm>>)
        %dma_start3A_399 = tpu.memref_slice %arg5[%multiple_of3A_392] : memref<3200xi32, #tpu.memory_space<vmem>> -> memref<64xi32, #tpu.memory_space<vmem>>
        %dma_start3A_400 = arith.constant 0 : i32
        %dma_start3A_401 = arith.constant 0 : i32
        %dma_start3A_402 = tpu.memref_slice %arg6[%dma_start3A_400, %dma_start3A_401] : memref<100x128xf32, #tpu.memory_space<vmem_shared>> -> memref<100x128xf32, #tpu.memory_space<vmem_shared>>
        tpu.enqueue_indirect_dma source(%dma_start3A_402 : memref<100x128xf32, #tpu.memory_space<vmem_shared>>) target(%arg12 : memref<64x128xf32, #tpu.memory_space<vmem>>) offsets(%dma_start3A_399 : memref<64xi32, #tpu.memory_space<vmem>>) semaphore(%arg22 : memref<!tpu.dma_semaphore, #tpu.memory_space<semaphore_mem>>)
        %mul3A_403 = arith.constant 10 : i32
        %mul3A_404 = arith.muli %scan3A_136, %mul3A_403 : i32
        %add3A_405 = arith.constant 6 : i32
        %add3A_406 = arith.addi %mul3A_404, %add3A_405 : i32
        %mul3A_407 = arith.constant 64 : i32
        %mul3A_408 = arith.muli %add3A_406, %mul3A_407 : i32
        %multiple_of3A_409 = tpu.assume_multiple %mul3A_408, 8 : i32
        %dma_wait3A_410 = arith.constant 0 : i32
        %dma_wait3A_411 = arith.constant 0 : i32
        %dma_wait3A_412 = tpu.memref_slice %arg4[%dma_wait3A_410, %dma_wait3A_411] : memref<100000x128xf32, #tpu.memory_space<hbm>> -> memref<64x128xf32, #tpu.memory_space<hbm>>
        %dma_wait3A_413 = arith.constant 0 : i32
        %dma_wait3A_414 = arith.constant 0 : i32
        %dma_wait3A_415 = tpu.memref_slice %arg4[%dma_wait3A_413, %dma_wait3A_414] : memref<100000x128xf32, #tpu.memory_space<hbm>> -> memref<64x128xf32, #tpu.memory_space<hbm>>
        tpu.wait_dma2 semaphore(%arg33 : memref<!tpu.dma_semaphore, #tpu.memory_space<semaphore_mem>>) src(%arg13 : memref<64x128xf32, #tpu.memory_space<vmem>>) dst(%dma_wait3A_415 : memref<64x128xf32, #tpu.memory_space<hbm>>)
        %dma_start3A_416 = tpu.memref_slice %arg5[%multiple_of3A_409] : memref<3200xi32, #tpu.memory_space<vmem>> -> memref<64xi32, #tpu.memory_space<vmem>>
        %dma_start3A_417 = arith.constant 0 : i32
        %dma_start3A_418 = arith.constant 0 : i32
        %dma_start3A_419 = tpu.memref_slice %arg6[%dma_start3A_417, %dma_start3A_418] : memref<100x128xf32, #tpu.memory_space<vmem_shared>> -> memref<100x128xf32, #tpu.memory_space<vmem_shared>>
        tpu.enqueue_indirect_dma source(%dma_start3A_419 : memref<100x128xf32, #tpu.memory_space<vmem_shared>>) target(%arg13 : memref<64x128xf32, #tpu.memory_space<vmem>>) offsets(%dma_start3A_416 : memref<64xi32, #tpu.memory_space<vmem>>) semaphore(%arg23 : memref<!tpu.dma_semaphore, #tpu.memory_space<semaphore_mem>>)
        %mul3A_420 = arith.constant 10 : i32
        %mul3A_421 = arith.muli %scan3A_136, %mul3A_420 : i32
        %add3A_422 = arith.constant 7 : i32
        %add3A_423 = arith.addi %mul3A_421, %add3A_422 : i32
        %mul3A_424 = arith.constant 64 : i32
        %mul3A_425 = arith.muli %add3A_423, %mul3A_424 : i32
        %multiple_of3A_426 = tpu.assume_multiple %mul3A_425, 8 : i32
        %dma_wait3A_427 = arith.constant 0 : i32
        %dma_wait3A_428 = arith.constant 0 : i32
        %dma_wait3A_429 = tpu.memref_slice %arg4[%dma_wait3A_427, %dma_wait3A_428] : memref<100000x128xf32, #tpu.memory_space<hbm>> -> memref<64x128xf32, #tpu.memory_space<hbm>>
        %dma_wait3A_430 = arith.constant 0 : i32
        %dma_wait3A_431 = arith.constant 0 : i32
        %dma_wait3A_432 = tpu.memref_slice %arg4[%dma_wait3A_430, %dma_wait3A_431] : memref<100000x128xf32, #tpu.memory_space<hbm>> -> memref<64x128xf32, #tpu.memory_space<hbm>>
        tpu.wait_dma2 semaphore(%arg34 : memref<!tpu.dma_semaphore, #tpu.memory_space<semaphore_mem>>) src(%arg14 : memref<64x128xf32, #tpu.memory_space<vmem>>) dst(%dma_wait3A_432 : memref<64x128xf32, #tpu.memory_space<hbm>>)
        %dma_start3A_433 = tpu.memref_slice %arg5[%multiple_of3A_426] : memref<3200xi32, #tpu.memory_space<vmem>> -> memref<64xi32, #tpu.memory_space<vmem>>
        %dma_start3A_434 = arith.constant 0 : i32
        %dma_start3A_435 = arith.constant 0 : i32
        %dma_start3A_436 = tpu.memref_slice %arg6[%dma_start3A_434, %dma_start3A_435] : memref<100x128xf32, #tpu.memory_space<vmem_shared>> -> memref<100x128xf32, #tpu.memory_space<vmem_shared>>
        tpu.enqueue_indirect_dma source(%dma_start3A_436 : memref<100x128xf32, #tpu.memory_space<vmem_shared>>) target(%arg14 : memref<64x128xf32, #tpu.memory_space<vmem>>) offsets(%dma_start3A_433 : memref<64xi32, #tpu.memory_space<vmem>>) semaphore(%arg24 : memref<!tpu.dma_semaphore, #tpu.memory_space<semaphore_mem>>)
        %mul3A_437 = arith.constant 10 : i32
        %mul3A_438 = arith.muli %scan3A_136, %mul3A_437 : i32
        %add3A_439 = arith.constant 8 : i32
        %add3A_440 = arith.addi %mul3A_438, %add3A_439 : i32
        %mul3A_441 = arith.constant 64 : i32
        %mul3A_442 = arith.muli %add3A_440, %mul3A_441 : i32
        %multiple_of3A_443 = tpu.assume_multiple %mul3A_442, 8 : i32
        %dma_wait3A_444 = arith.constant 0 : i32
        %dma_wait3A_445 = arith.constant 0 : i32
        %dma_wait3A_446 = tpu.memref_slice %arg4[%dma_wait3A_444, %dma_wait3A_445] : memref<100000x128xf32, #tpu.memory_space<hbm>> -> memref<64x128xf32, #tpu.memory_space<hbm>>
        %dma_wait3A_447 = arith.constant 0 : i32
        %dma_wait3A_448 = arith.constant 0 : i32
        %dma_wait3A_449 = tpu.memref_slice %arg4[%dma_wait3A_447, %dma_wait3A_448] : memref<100000x128xf32, #tpu.memory_space<hbm>> -> memref<64x128xf32, #tpu.memory_space<hbm>>
        tpu.wait_dma2 semaphore(%arg35 : memref<!tpu.dma_semaphore, #tpu.memory_space<semaphore_mem>>) src(%arg15 : memref<64x128xf32, #tpu.memory_space<vmem>>) dst(%dma_wait3A_449 : memref<64x128xf32, #tpu.memory_space<hbm>>)
        %dma_start3A_450 = tpu.memref_slice %arg5[%multiple_of3A_443] : memref<3200xi32, #tpu.memory_space<vmem>> -> memref<64xi32, #tpu.memory_space<vmem>>
        %dma_start3A_451 = arith.constant 0 : i32
        %dma_start3A_452 = arith.constant 0 : i32
        %dma_start3A_453 = tpu.memref_slice %arg6[%dma_start3A_451, %dma_start3A_452] : memref<100x128xf32, #tpu.memory_space<vmem_shared>> -> memref<100x128xf32, #tpu.memory_space<vmem_shared>>
        tpu.enqueue_indirect_dma source(%dma_start3A_453 : memref<100x128xf32, #tpu.memory_space<vmem_shared>>) target(%arg15 : memref<64x128xf32, #tpu.memory_space<vmem>>) offsets(%dma_start3A_450 : memref<64xi32, #tpu.memory_space<vmem>>) semaphore(%arg25 : memref<!tpu.dma_semaphore, #tpu.memory_space<semaphore_mem>>)
        %mul3A_454 = arith.constant 10 : i32
        %mul3A_455 = arith.muli %scan3A_136, %mul3A_454 : i32
        %add3A_456 = arith.constant 9 : i32
        %add3A_457 = arith.addi %mul3A_455, %add3A_456 : i32
        %mul3A_458 = arith.constant 64 : i32
        %mul3A_459 = arith.muli %add3A_457, %mul3A_458 : i32
        %multiple_of3A_460 = tpu.assume_multiple %mul3A_459, 8 : i32
        %dma_wait3A_461 = arith.constant 0 : i32
        %dma_wait3A_462 = arith.constant 0 : i32
        %dma_wait3A_463 = tpu.memref_slice %arg4[%dma_wait3A_461, %dma_wait3A_462] : memref<100000x128xf32, #tpu.memory_space<hbm>> -> memref<64x128xf32, #tpu.memory_space<hbm>>
        %dma_wait3A_464 = arith.constant 0 : i32
        %dma_wait3A_465 = arith.constant 0 : i32
        %dma_wait3A_466 = tpu.memref_slice %arg4[%dma_wait3A_464, %dma_wait3A_465] : memref<100000x128xf32, #tpu.memory_space<hbm>> -> memref<64x128xf32, #tpu.memory_space<hbm>>
        tpu.wait_dma2 semaphore(%arg36 : memref<!tpu.dma_semaphore, #tpu.memory_space<semaphore_mem>>) src(%arg16 : memref<64x128xf32, #tpu.memory_space<vmem>>) dst(%dma_wait3A_466 : memref<64x128xf32, #tpu.memory_space<hbm>>)
        %dma_start3A_467 = tpu.memref_slice %arg5[%multiple_of3A_460] : memref<3200xi32, #tpu.memory_space<vmem>> -> memref<64xi32, #tpu.memory_space<vmem>>
        %dma_start3A_468 = arith.constant 0 : i32
        %dma_start3A_469 = arith.constant 0 : i32
        %dma_start3A_470 = tpu.memref_slice %arg6[%dma_start3A_468, %dma_start3A_469] : memref<100x128xf32, #tpu.memory_space<vmem_shared>> -> memref<100x128xf32, #tpu.memory_space<vmem_shared>>
        tpu.enqueue_indirect_dma source(%dma_start3A_470 : memref<100x128xf32, #tpu.memory_space<vmem_shared>>) target(%arg16 : memref<64x128xf32, #tpu.memory_space<vmem>>) offsets(%dma_start3A_467 : memref<64xi32, #tpu.memory_space<vmem>>) semaphore(%arg26 : memref<!tpu.dma_semaphore, #tpu.memory_space<semaphore_mem>>)
      } else {
      }
      %mul3A_141 = arith.constant 10 : i32
      %mul3A_142 = arith.muli %scan3A_136, %mul3A_141 : i32
      %add3A_143 = arith.constant 0 : i32
      %add3A_144 = arith.addi %mul3A_142, %add3A_143 : i32
      %mul3A_145 = arith.constant 64 : i32
      %mul3A_146 = arith.muli %add3A_144, %mul3A_145 : i32
      %multiple_of3A_147 = tpu.assume_multiple %mul3A_146, 8 : i32
      %dma_wait3A_148 = tpu.memref_slice %arg5[%multiple_of3A_147] : memref<3200xi32, #tpu.memory_space<vmem>> -> memref<64xi32, #tpu.memory_space<vmem>>
      %dma_wait3A_149 = arith.constant 0 : i32
      %dma_wait3A_150 = arith.constant 0 : i32
      %dma_wait3A_151 = tpu.memref_slice %arg6[%dma_wait3A_149, %dma_wait3A_150] : memref<100x128xf32, #tpu.memory_space<vmem_shared>> -> memref<100x128xf32, #tpu.memory_space<vmem_shared>>
      tpu.wait_indirect_dma semaphore(%arg17 : memref<!tpu.dma_semaphore, #tpu.memory_space<semaphore_mem>>) src(%dma_wait3A_151 : memref<100x128xf32, #tpu.memory_space<vmem_shared>>) dst(%arg7 : memref<64x128xf32, #tpu.memory_space<vmem>>)
      %add3A_152 = arith.addi %multiple_of3A, %multiple_of3A_147 : i32
      %dma_start3A_153 = arith.constant 0 : i32
      %dma_start3A_154 = tpu.memref_slice %arg4[%add3A_152, %dma_start3A_153] : memref<100000x128xf32, #tpu.memory_space<hbm>> -> memref<64x128xf32, #tpu.memory_space<hbm>>
      %dma_start3A_155 = arith.constant 0 : i32
      %dma_start3A_156 = tpu.memref_slice %arg4[%add3A_152, %dma_start3A_155] : memref<100000x128xf32, #tpu.memory_space<hbm>> -> memref<64x128xf32, #tpu.memory_space<hbm>>
      tpu.enqueue_dma source(%arg7 : memref<64x128xf32, #tpu.memory_space<vmem>>) target(%dma_start3A_156 : memref<64x128xf32, #tpu.memory_space<hbm>>) target_semaphore(%arg27 : memref<!tpu.dma_semaphore, #tpu.memory_space<semaphore_mem>>)
      %mul3A_157 = arith.constant 10 : i32
      %mul3A_158 = arith.muli %scan3A_136, %mul3A_157 : i32
      %add3A_159 = arith.constant 1 : i32
      %add3A_160 = arith.addi %mul3A_158, %add3A_159 : i32
      %mul3A_161 = arith.constant 64 : i32
      %mul3A_162 = arith.muli %add3A_160, %mul3A_161 : i32
      %multiple_of3A_163 = tpu.assume_multiple %mul3A_162, 8 : i32
      %dma_wait3A_164 = tpu.memref_slice %arg5[%multiple_of3A_163] : memref<3200xi32, #tpu.memory_space<vmem>> -> memref<64xi32, #tpu.memory_space<vmem>>
      %dma_wait3A_165 = arith.constant 0 : i32
      %dma_wait3A_166 = arith.constant 0 : i32
      %dma_wait3A_167 = tpu.memref_slice %arg6[%dma_wait3A_165, %dma_wait3A_166] : memref<100x128xf32, #tpu.memory_space<vmem_shared>> -> memref<100x128xf32, #tpu.memory_space<vmem_shared>>
      tpu.wait_indirect_dma semaphore(%arg18 : memref<!tpu.dma_semaphore, #tpu.memory_space<semaphore_mem>>) src(%dma_wait3A_167 : memref<100x128xf32, #tpu.memory_space<vmem_shared>>) dst(%arg8 : memref<64x128xf32, #tpu.memory_space<vmem>>)
      %add3A_168 = arith.addi %multiple_of3A, %multiple_of3A_163 : i32
      %dma_start3A_169 = arith.constant 0 : i32
      %dma_start3A_170 = tpu.memref_slice %arg4[%add3A_168, %dma_start3A_169] : memref<100000x128xf32, #tpu.memory_space<hbm>> -> memref<64x128xf32, #tpu.memory_space<hbm>>
      %dma_start3A_171 = arith.constant 0 : i32
      %dma_start3A_172 = tpu.memref_slice %arg4[%add3A_168, %dma_start3A_171] : memref<100000x128xf32, #tpu.memory_space<hbm>> -> memref<64x128xf32, #tpu.memory_space<hbm>>
      tpu.enqueue_dma source(%arg8 : memref<64x128xf32, #tpu.memory_space<vmem>>) target(%dma_start3A_172 : memref<64x128xf32, #tpu.memory_space<hbm>>) target_semaphore(%arg28 : memref<!tpu.dma_semaphore, #tpu.memory_space<semaphore_mem>>)
      %mul3A_173 = arith.constant 10 : i32
      %mul3A_174 = arith.muli %scan3A_136, %mul3A_173 : i32
      %add3A_175 = arith.constant 2 : i32
      %add3A_176 = arith.addi %mul3A_174, %add3A_175 : i32
      %mul3A_177 = arith.constant 64 : i32
      %mul3A_178 = arith.muli %add3A_176, %mul3A_177 : i32
      %multiple_of3A_179 = tpu.assume_multiple %mul3A_178, 8 : i32
      %dma_wait3A_180 = tpu.memref_slice %arg5[%multiple_of3A_179] : memref<3200xi32, #tpu.memory_space<vmem>> -> memref<64xi32, #tpu.memory_space<vmem>>
      %dma_wait3A_181 = arith.constant 0 : i32
      %dma_wait3A_182 = arith.constant 0 : i32
      %dma_wait3A_183 = tpu.memref_slice %arg6[%dma_wait3A_181, %dma_wait3A_182] : memref<100x128xf32, #tpu.memory_space<vmem_shared>> -> memref<100x128xf32, #tpu.memory_space<vmem_shared>>
      tpu.wait_indirect_dma semaphore(%arg19 : memref<!tpu.dma_semaphore, #tpu.memory_space<semaphore_mem>>) src(%dma_wait3A_183 : memref<100x128xf32, #tpu.memory_space<vmem_shared>>) dst(%arg9 : memref<64x128xf32, #tpu.memory_space<vmem>>)
      %add3A_184 = arith.addi %multiple_of3A, %multiple_of3A_179 : i32
      %dma_start3A_185 = arith.constant 0 : i32
      %dma_start3A_186 = tpu.memref_slice %arg4[%add3A_184, %dma_start3A_185] : memref<100000x128xf32, #tpu.memory_space<hbm>> -> memref<64x128xf32, #tpu.memory_space<hbm>>
      %dma_start3A_187 = arith.constant 0 : i32
      %dma_start3A_188 = tpu.memref_slice %arg4[%add3A_184, %dma_start3A_187] : memref<100000x128xf32, #tpu.memory_space<hbm>> -> memref<64x128xf32, #tpu.memory_space<hbm>>
      tpu.enqueue_dma source(%arg9 : memref<64x128xf32, #tpu.memory_space<vmem>>) target(%dma_start3A_188 : memref<64x128xf32, #tpu.memory_space<hbm>>) target_semaphore(%arg29 : memref<!tpu.dma_semaphore, #tpu.memory_space<semaphore_mem>>)
      %mul3A_189 = arith.constant 10 : i32
      %mul3A_190 = arith.muli %scan3A_136, %mul3A_189 : i32
      %add3A_191 = arith.constant 3 : i32
      %add3A_192 = arith.addi %mul3A_190, %add3A_191 : i32
      %mul3A_193 = arith.constant 64 : i32
      %mul3A_194 = arith.muli %add3A_192, %mul3A_193 : i32
      %multiple_of3A_195 = tpu.assume_multiple %mul3A_194, 8 : i32
      %dma_wait3A_196 = tpu.memref_slice %arg5[%multiple_of3A_195] : memref<3200xi32, #tpu.memory_space<vmem>> -> memref<64xi32, #tpu.memory_space<vmem>>
      %dma_wait3A_197 = arith.constant 0 : i32
      %dma_wait3A_198 = arith.constant 0 : i32
      %dma_wait3A_199 = tpu.memref_slice %arg6[%dma_wait3A_197, %dma_wait3A_198] : memref<100x128xf32, #tpu.memory_space<vmem_shared>> -> memref<100x128xf32, #tpu.memory_space<vmem_shared>>
      tpu.wait_indirect_dma semaphore(%arg20 : memref<!tpu.dma_semaphore, #tpu.memory_space<semaphore_mem>>) src(%dma_wait3A_199 : memref<100x128xf32, #tpu.memory_space<vmem_shared>>) dst(%arg10 : memref<64x128xf32, #tpu.memory_space<vmem>>)
      %add3A_200 = arith.addi %multiple_of3A, %multiple_of3A_195 : i32
      %dma_start3A_201 = arith.constant 0 : i32
      %dma_start3A_202 = tpu.memref_slice %arg4[%add3A_200, %dma_start3A_201] : memref<100000x128xf32, #tpu.memory_space<hbm>> -> memref<64x128xf32, #tpu.memory_space<hbm>>
      %dma_start3A_203 = arith.constant 0 : i32
      %dma_start3A_204 = tpu.memref_slice %arg4[%add3A_200, %dma_start3A_203] : memref<100000x128xf32, #tpu.memory_space<hbm>> -> memref<64x128xf32, #tpu.memory_space<hbm>>
      tpu.enqueue_dma source(%arg10 : memref<64x128xf32, #tpu.memory_space<vmem>>) target(%dma_start3A_204 : memref<64x128xf32, #tpu.memory_space<hbm>>) target_semaphore(%arg30 : memref<!tpu.dma_semaphore, #tpu.memory_space<semaphore_mem>>)
      %mul3A_205 = arith.constant 10 : i32
      %mul3A_206 = arith.muli %scan3A_136, %mul3A_205 : i32
      %add3A_207 = arith.constant 4 : i32
      %add3A_208 = arith.addi %mul3A_206, %add3A_207 : i32
      %mul3A_209 = arith.constant 64 : i32
      %mul3A_210 = arith.muli %add3A_208, %mul3A_209 : i32
      %multiple_of3A_211 = tpu.assume_multiple %mul3A_210, 8 : i32
      %dma_wait3A_212 = tpu.memref_slice %arg5[%multiple_of3A_211] : memref<3200xi32, #tpu.memory_space<vmem>> -> memref<64xi32, #tpu.memory_space<vmem>>
      %dma_wait3A_213 = arith.constant 0 : i32
      %dma_wait3A_214 = arith.constant 0 : i32
      %dma_wait3A_215 = tpu.memref_slice %arg6[%dma_wait3A_213, %dma_wait3A_214] : memref<100x128xf32, #tpu.memory_space<vmem_shared>> -> memref<100x128xf32, #tpu.memory_space<vmem_shared>>
      tpu.wait_indirect_dma semaphore(%arg21 : memref<!tpu.dma_semaphore, #tpu.memory_space<semaphore_mem>>) src(%dma_wait3A_215 : memref<100x128xf32, #tpu.memory_space<vmem_shared>>) dst(%arg11 : memref<64x128xf32, #tpu.memory_space<vmem>>)
      %add3A_216 = arith.addi %multiple_of3A, %multiple_of3A_211 : i32
      %dma_start3A_217 = arith.constant 0 : i32
      %dma_start3A_218 = tpu.memref_slice %arg4[%add3A_216, %dma_start3A_217] : memref<100000x128xf32, #tpu.memory_space<hbm>> -> memref<64x128xf32, #tpu.memory_space<hbm>>
      %dma_start3A_219 = arith.constant 0 : i32
      %dma_start3A_220 = tpu.memref_slice %arg4[%add3A_216, %dma_start3A_219] : memref<100000x128xf32, #tpu.memory_space<hbm>> -> memref<64x128xf32, #tpu.memory_space<hbm>>
      tpu.enqueue_dma source(%arg11 : memref<64x128xf32, #tpu.memory_space<vmem>>) target(%dma_start3A_220 : memref<64x128xf32, #tpu.memory_space<hbm>>) target_semaphore(%arg31 : memref<!tpu.dma_semaphore, #tpu.memory_space<semaphore_mem>>)
      %mul3A_221 = arith.constant 10 : i32
      %mul3A_222 = arith.muli %scan3A_136, %mul3A_221 : i32
      %add3A_223 = arith.constant 5 : i32
      %add3A_224 = arith.addi %mul3A_222, %add3A_223 : i32
      %mul3A_225 = arith.constant 64 : i32
      %mul3A_226 = arith.muli %add3A_224, %mul3A_225 : i32
      %multiple_of3A_227 = tpu.assume_multiple %mul3A_226, 8 : i32
      %dma_wait3A_228 = tpu.memref_slice %arg5[%multiple_of3A_227] : memref<3200xi32, #tpu.memory_space<vmem>> -> memref<64xi32, #tpu.memory_space<vmem>>
      %dma_wait3A_229 = arith.constant 0 : i32
      %dma_wait3A_230 = arith.constant 0 : i32
      %dma_wait3A_231 = tpu.memref_slice %arg6[%dma_wait3A_229, %dma_wait3A_230] : memref<100x128xf32, #tpu.memory_space<vmem_shared>> -> memref<100x128xf32, #tpu.memory_space<vmem_shared>>
      tpu.wait_indirect_dma semaphore(%arg22 : memref<!tpu.dma_semaphore, #tpu.memory_space<semaphore_mem>>) src(%dma_wait3A_231 : memref<100x128xf32, #tpu.memory_space<vmem_shared>>) dst(%arg12 : memref<64x128xf32, #tpu.memory_space<vmem>>)
      %add3A_232 = arith.addi %multiple_of3A, %multiple_of3A_227 : i32
      %dma_start3A_233 = arith.constant 0 : i32
      %dma_start3A_234 = tpu.memref_slice %arg4[%add3A_232, %dma_start3A_233] : memref<100000x128xf32, #tpu.memory_space<hbm>> -> memref<64x128xf32, #tpu.memory_space<hbm>>
      %dma_start3A_235 = arith.constant 0 : i32
      %dma_start3A_236 = tpu.memref_slice %arg4[%add3A_232, %dma_start3A_235] : memref<100000x128xf32, #tpu.memory_space<hbm>> -> memref<64x128xf32, #tpu.memory_space<hbm>>
      tpu.enqueue_dma source(%arg12 : memref<64x128xf32, #tpu.memory_space<vmem>>) target(%dma_start3A_236 : memref<64x128xf32, #tpu.memory_space<hbm>>) target_semaphore(%arg32 : memref<!tpu.dma_semaphore, #tpu.memory_space<semaphore_mem>>)
      %mul3A_237 = arith.constant 10 : i32
      %mul3A_238 = arith.muli %scan3A_136, %mul3A_237 : i32
      %add3A_239 = arith.constant 6 : i32
      %add3A_240 = arith.addi %mul3A_238, %add3A_239 : i32
      %mul3A_241 = arith.constant 64 : i32
      %mul3A_242 = arith.muli %add3A_240, %mul3A_241 : i32
      %multiple_of3A_243 = tpu.assume_multiple %mul3A_242, 8 : i32
      %dma_wait3A_244 = tpu.memref_slice %arg5[%multiple_of3A_243] : memref<3200xi32, #tpu.memory_space<vmem>> -> memref<64xi32, #tpu.memory_space<vmem>>
      %dma_wait3A_245 = arith.constant 0 : i32
      %dma_wait3A_246 = arith.constant 0 : i32
      %dma_wait3A_247 = tpu.memref_slice %arg6[%dma_wait3A_245, %dma_wait3A_246] : memref<100x128xf32, #tpu.memory_space<vmem_shared>> -> memref<100x128xf32, #tpu.memory_space<vmem_shared>>
      tpu.wait_indirect_dma semaphore(%arg23 : memref<!tpu.dma_semaphore, #tpu.memory_space<semaphore_mem>>) src(%dma_wait3A_247 : memref<100x128xf32, #tpu.memory_space<vmem_shared>>) dst(%arg13 : memref<64x128xf32, #tpu.memory_space<vmem>>)
      %add3A_248 = arith.addi %multiple_of3A, %multiple_of3A_243 : i32
      %dma_start3A_249 = arith.constant 0 : i32
      %dma_start3A_250 = tpu.memref_slice %arg4[%add3A_248, %dma_start3A_249] : memref<100000x128xf32, #tpu.memory_space<hbm>> -> memref<64x128xf32, #tpu.memory_space<hbm>>
      %dma_start3A_251 = arith.constant 0 : i32
      %dma_start3A_252 = tpu.memref_slice %arg4[%add3A_248, %dma_start3A_251] : memref<100000x128xf32, #tpu.memory_space<hbm>> -> memref<64x128xf32, #tpu.memory_space<hbm>>
      tpu.enqueue_dma source(%arg13 : memref<64x128xf32, #tpu.memory_space<vmem>>) target(%dma_start3A_252 : memref<64x128xf32, #tpu.memory_space<hbm>>) target_semaphore(%arg33 : memref<!tpu.dma_semaphore, #tpu.memory_space<semaphore_mem>>)
      %mul3A_253 = arith.constant 10 : i32
      %mul3A_254 = arith.muli %scan3A_136, %mul3A_253 : i32
      %add3A_255 = arith.constant 7 : i32
      %add3A_256 = arith.addi %mul3A_254, %add3A_255 : i32
      %mul3A_257 = arith.constant 64 : i32
      %mul3A_258 = arith.muli %add3A_256, %mul3A_257 : i32
      %multiple_of3A_259 = tpu.assume_multiple %mul3A_258, 8 : i32
      %dma_wait3A_260 = tpu.memref_slice %arg5[%multiple_of3A_259] : memref<3200xi32, #tpu.memory_space<vmem>> -> memref<64xi32, #tpu.memory_space<vmem>>
      %dma_wait3A_261 = arith.constant 0 : i32
      %dma_wait3A_262 = arith.constant 0 : i32
      %dma_wait3A_263 = tpu.memref_slice %arg6[%dma_wait3A_261, %dma_wait3A_262] : memref<100x128xf32, #tpu.memory_space<vmem_shared>> -> memref<100x128xf32, #tpu.memory_space<vmem_shared>>
      tpu.wait_indirect_dma semaphore(%arg24 : memref<!tpu.dma_semaphore, #tpu.memory_space<semaphore_mem>>) src(%dma_wait3A_263 : memref<100x128xf32, #tpu.memory_space<vmem_shared>>) dst(%arg14 : memref<64x128xf32, #tpu.memory_space<vmem>>)
      %add3A_264 = arith.addi %multiple_of3A, %multiple_of3A_259 : i32
      %dma_start3A_265 = arith.constant 0 : i32
      %dma_start3A_266 = tpu.memref_slice %arg4[%add3A_264, %dma_start3A_265] : memref<100000x128xf32, #tpu.memory_space<hbm>> -> memref<64x128xf32, #tpu.memory_space<hbm>>
      %dma_start3A_267 = arith.constant 0 : i32
      %dma_start3A_268 = tpu.memref_slice %arg4[%add3A_264, %dma_start3A_267] : memref<100000x128xf32, #tpu.memory_space<hbm>> -> memref<64x128xf32, #tpu.memory_space<hbm>>
      tpu.enqueue_dma source(%arg14 : memref<64x128xf32, #tpu.memory_space<vmem>>) target(%dma_start3A_268 : memref<64x128xf32, #tpu.memory_space<hbm>>) target_semaphore(%arg34 : memref<!tpu.dma_semaphore, #tpu.memory_space<semaphore_mem>>)
      %mul3A_269 = arith.constant 10 : i32
      %mul3A_270 = arith.muli %scan3A_136, %mul3A_269 : i32
      %add3A_271 = arith.constant 8 : i32
      %add3A_272 = arith.addi %mul3A_270, %add3A_271 : i32
      %mul3A_273 = arith.constant 64 : i32
      %mul3A_274 = arith.muli %add3A_272, %mul3A_273 : i32
      %multiple_of3A_275 = tpu.assume_multiple %mul3A_274, 8 : i32
      %dma_wait3A_276 = tpu.memref_slice %arg5[%multiple_of3A_275] : memref<3200xi32, #tpu.memory_space<vmem>> -> memref<64xi32, #tpu.memory_space<vmem>>
      %dma_wait3A_277 = arith.constant 0 : i32
      %dma_wait3A_278 = arith.constant 0 : i32
      %dma_wait3A_279 = tpu.memref_slice %arg6[%dma_wait3A_277, %dma_wait3A_278] : memref<100x128xf32, #tpu.memory_space<vmem_shared>> -> memref<100x128xf32, #tpu.memory_space<vmem_shared>>
      tpu.wait_indirect_dma semaphore(%arg25 : memref<!tpu.dma_semaphore, #tpu.memory_space<semaphore_mem>>) src(%dma_wait3A_279 : memref<100x128xf32, #tpu.memory_space<vmem_shared>>) dst(%arg15 : memref<64x128xf32, #tpu.memory_space<vmem>>)
      %add3A_280 = arith.addi %multiple_of3A, %multiple_of3A_275 : i32
      %dma_start3A_281 = arith.constant 0 : i32
      %dma_start3A_282 = tpu.memref_slice %arg4[%add3A_280, %dma_start3A_281] : memref<100000x128xf32, #tpu.memory_space<hbm>> -> memref<64x128xf32, #tpu.memory_space<hbm>>
      %dma_start3A_283 = arith.constant 0 : i32
      %dma_start3A_284 = tpu.memref_slice %arg4[%add3A_280, %dma_start3A_283] : memref<100000x128xf32, #tpu.memory_space<hbm>> -> memref<64x128xf32, #tpu.memory_space<hbm>>
      tpu.enqueue_dma source(%arg15 : memref<64x128xf32, #tpu.memory_space<vmem>>) target(%dma_start3A_284 : memref<64x128xf32, #tpu.memory_space<hbm>>) target_semaphore(%arg35 : memref<!tpu.dma_semaphore, #tpu.memory_space<semaphore_mem>>)
      %mul3A_285 = arith.constant 10 : i32
      %mul3A_286 = arith.muli %scan3A_136, %mul3A_285 : i32
      %add3A_287 = arith.constant 9 : i32
      %add3A_288 = arith.addi %mul3A_286, %add3A_287 : i32
      %mul3A_289 = arith.constant 64 : i32
      %mul3A_290 = arith.muli %add3A_288, %mul3A_289 : i32
      %multiple_of3A_291 = tpu.assume_multiple %mul3A_290, 8 : i32
      %dma_wait3A_292 = tpu.memref_slice %arg5[%multiple_of3A_291] : memref<3200xi32, #tpu.memory_space<vmem>> -> memref<64xi32, #tpu.memory_space<vmem>>
      %dma_wait3A_293 = arith.constant 0 : i32
      %dma_wait3A_294 = arith.constant 0 : i32
      %dma_wait3A_295 = tpu.memref_slice %arg6[%dma_wait3A_293, %dma_wait3A_294] : memref<100x128xf32, #tpu.memory_space<vmem_shared>> -> memref<100x128xf32, #tpu.memory_space<vmem_shared>>
      tpu.wait_indirect_dma semaphore(%arg26 : memref<!tpu.dma_semaphore, #tpu.memory_space<semaphore_mem>>) src(%dma_wait3A_295 : memref<100x128xf32, #tpu.memory_space<vmem_shared>>) dst(%arg16 : memref<64x128xf32, #tpu.memory_space<vmem>>)
      %add3A_296 = arith.addi %multiple_of3A, %multiple_of3A_291 : i32
      %dma_start3A_297 = arith.constant 0 : i32
      %dma_start3A_298 = tpu.memref_slice %arg4[%add3A_296, %dma_start3A_297] : memref<100000x128xf32, #tpu.memory_space<hbm>> -> memref<64x128xf32, #tpu.memory_space<hbm>>
      %dma_start3A_299 = arith.constant 0 : i32
      %dma_start3A_300 = tpu.memref_slice %arg4[%add3A_296, %dma_start3A_299] : memref<100000x128xf32, #tpu.memory_space<hbm>> -> memref<64x128xf32, #tpu.memory_space<hbm>>
      tpu.enqueue_dma source(%arg16 : memref<64x128xf32, #tpu.memory_space<vmem>>) target(%dma_start3A_300 : memref<64x128xf32, #tpu.memory_space<hbm>>) target_semaphore(%arg36 : memref<!tpu.dma_semaphore, #tpu.memory_space<semaphore_mem>>)
    }
    %scan3A_76 = arith.constant 5 : i32
    %dma_wait3A = arith.constant 0 : i32
    %dma_wait3A_77 = arith.constant 0 : i32
    %dma_wait3A_78 = tpu.memref_slice %arg4[%dma_wait3A, %dma_wait3A_77] : memref<100000x128xf32, #tpu.memory_space<hbm>> -> memref<64x128xf32, #tpu.memory_space<hbm>>
    %dma_wait3A_79 = arith.constant 0 : i32
    %dma_wait3A_80 = arith.constant 0 : i32
    %dma_wait3A_81 = tpu.memref_slice %arg4[%dma_wait3A_79, %dma_wait3A_80] : memref<100000x128xf32, #tpu.memory_space<hbm>> -> memref<64x128xf32, #tpu.memory_space<hbm>>
    tpu.wait_dma2 semaphore(%arg27 : memref<!tpu.dma_semaphore, #tpu.memory_space<semaphore_mem>>) src(%arg7 : memref<64x128xf32, #tpu.memory_space<vmem>>) dst(%dma_wait3A_81 : memref<64x128xf32, #tpu.memory_space<hbm>>)
    %dma_wait3A_82 = arith.constant 0 : i32
    %dma_wait3A_83 = arith.constant 0 : i32
    %dma_wait3A_84 = tpu.memref_slice %arg4[%dma_wait3A_82, %dma_wait3A_83] : memref<100000x128xf32, #tpu.memory_space<hbm>> -> memref<64x128xf32, #tpu.memory_space<hbm>>
    %dma_wait3A_85 = arith.constant 0 : i32
    %dma_wait3A_86 = arith.constant 0 : i32
    %dma_wait3A_87 = tpu.memref_slice %arg4[%dma_wait3A_85, %dma_wait3A_86] : memref<100000x128xf32, #tpu.memory_space<hbm>> -> memref<64x128xf32, #tpu.memory_space<hbm>>
    tpu.wait_dma2 semaphore(%arg28 : memref<!tpu.dma_semaphore, #tpu.memory_space<semaphore_mem>>) src(%arg8 : memref<64x128xf32, #tpu.memory_space<vmem>>) dst(%dma_wait3A_87 : memref<64x128xf32, #tpu.memory_space<hbm>>)
    %dma_wait3A_88 = arith.constant 0 : i32
    %dma_wait3A_89 = arith.constant 0 : i32
    %dma_wait3A_90 = tpu.memref_slice %arg4[%dma_wait3A_88, %dma_wait3A_89] : memref<100000x128xf32, #tpu.memory_space<hbm>> -> memref<64x128xf32, #tpu.memory_space<hbm>>
    %dma_wait3A_91 = arith.constant 0 : i32
    %dma_wait3A_92 = arith.constant 0 : i32
    %dma_wait3A_93 = tpu.memref_slice %arg4[%dma_wait3A_91, %dma_wait3A_92] : memref<100000x128xf32, #tpu.memory_space<hbm>> -> memref<64x128xf32, #tpu.memory_space<hbm>>
    tpu.wait_dma2 semaphore(%arg29 : memref<!tpu.dma_semaphore, #tpu.memory_space<semaphore_mem>>) src(%arg9 : memref<64x128xf32, #tpu.memory_space<vmem>>) dst(%dma_wait3A_93 : memref<64x128xf32, #tpu.memory_space<hbm>>)
    %dma_wait3A_94 = arith.constant 0 : i32
    %dma_wait3A_95 = arith.constant 0 : i32
    %dma_wait3A_96 = tpu.memref_slice %arg4[%dma_wait3A_94, %dma_wait3A_95] : memref<100000x128xf32, #tpu.memory_space<hbm>> -> memref<64x128xf32, #tpu.memory_space<hbm>>
    %dma_wait3A_97 = arith.constant 0 : i32
    %dma_wait3A_98 = arith.constant 0 : i32
    %dma_wait3A_99 = tpu.memref_slice %arg4[%dma_wait3A_97, %dma_wait3A_98] : memref<100000x128xf32, #tpu.memory_space<hbm>> -> memref<64x128xf32, #tpu.memory_space<hbm>>
    tpu.wait_dma2 semaphore(%arg30 : memref<!tpu.dma_semaphore, #tpu.memory_space<semaphore_mem>>) src(%arg10 : memref<64x128xf32, #tpu.memory_space<vmem>>) dst(%dma_wait3A_99 : memref<64x128xf32, #tpu.memory_space<hbm>>)
    %dma_wait3A_100 = arith.constant 0 : i32
    %dma_wait3A_101 = arith.constant 0 : i32
    %dma_wait3A_102 = tpu.memref_slice %arg4[%dma_wait3A_100, %dma_wait3A_101] : memref<100000x128xf32, #tpu.memory_space<hbm>> -> memref<64x128xf32, #tpu.memory_space<hbm>>
    %dma_wait3A_103 = arith.constant 0 : i32
    %dma_wait3A_104 = arith.constant 0 : i32
    %dma_wait3A_105 = tpu.memref_slice %arg4[%dma_wait3A_103, %dma_wait3A_104] : memref<100000x128xf32, #tpu.memory_space<hbm>> -> memref<64x128xf32, #tpu.memory_space<hbm>>
    tpu.wait_dma2 semaphore(%arg31 : memref<!tpu.dma_semaphore, #tpu.memory_space<semaphore_mem>>) src(%arg11 : memref<64x128xf32, #tpu.memory_space<vmem>>) dst(%dma_wait3A_105 : memref<64x128xf32, #tpu.memory_space<hbm>>)
    %dma_wait3A_106 = arith.constant 0 : i32
    %dma_wait3A_107 = arith.constant 0 : i32
    %dma_wait3A_108 = tpu.memref_slice %arg4[%dma_wait3A_106, %dma_wait3A_107] : memref<100000x128xf32, #tpu.memory_space<hbm>> -> memref<64x128xf32, #tpu.memory_space<hbm>>
    %dma_wait3A_109 = arith.constant 0 : i32
    %dma_wait3A_110 = arith.constant 0 : i32
    %dma_wait3A_111 = tpu.memref_slice %arg4[%dma_wait3A_109, %dma_wait3A_110] : memref<100000x128xf32, #tpu.memory_space<hbm>> -> memref<64x128xf32, #tpu.memory_space<hbm>>
    tpu.wait_dma2 semaphore(%arg32 : memref<!tpu.dma_semaphore, #tpu.memory_space<semaphore_mem>>) src(%arg12 : memref<64x128xf32, #tpu.memory_space<vmem>>) dst(%dma_wait3A_111 : memref<64x128xf32, #tpu.memory_space<hbm>>)
    %dma_wait3A_112 = arith.constant 0 : i32
    %dma_wait3A_113 = arith.constant 0 : i32
    %dma_wait3A_114 = tpu.memref_slice %arg4[%dma_wait3A_112, %dma_wait3A_113] : memref<100000x128xf32, #tpu.memory_space<hbm>> -> memref<64x128xf32, #tpu.memory_space<hbm>>
    %dma_wait3A_115 = arith.constant 0 : i32
    %dma_wait3A_116 = arith.constant 0 : i32
    %dma_wait3A_117 = tpu.memref_slice %arg4[%dma_wait3A_115, %dma_wait3A_116] : memref<100000x128xf32, #tpu.memory_space<hbm>> -> memref<64x128xf32, #tpu.memory_space<hbm>>
    tpu.wait_dma2 semaphore(%arg33 : memref<!tpu.dma_semaphore, #tpu.memory_space<semaphore_mem>>) src(%arg13 : memref<64x128xf32, #tpu.memory_space<vmem>>) dst(%dma_wait3A_117 : memref<64x128xf32, #tpu.memory_space<hbm>>)
    %dma_wait3A_118 = arith.constant 0 : i32
    %dma_wait3A_119 = arith.constant 0 : i32
    %dma_wait3A_120 = tpu.memref_slice %arg4[%dma_wait3A_118, %dma_wait3A_119] : memref<100000x128xf32, #tpu.memory_space<hbm>> -> memref<64x128xf32, #tpu.memory_space<hbm>>
    %dma_wait3A_121 = arith.constant 0 : i32
    %dma_wait3A_122 = arith.constant 0 : i32
    %dma_wait3A_123 = tpu.memref_slice %arg4[%dma_wait3A_121, %dma_wait3A_122] : memref<100000x128xf32, #tpu.memory_space<hbm>> -> memref<64x128xf32, #tpu.memory_space<hbm>>
    tpu.wait_dma2 semaphore(%arg34 : memref<!tpu.dma_semaphore, #tpu.memory_space<semaphore_mem>>) src(%arg14 : memref<64x128xf32, #tpu.memory_space<vmem>>) dst(%dma_wait3A_123 : memref<64x128xf32, #tpu.memory_space<hbm>>)
    %dma_wait3A_124 = arith.constant 0 : i32
    %dma_wait3A_125 = arith.constant 0 : i32
    %dma_wait3A_126 = tpu.memref_slice %arg4[%dma_wait3A_124, %dma_wait3A_125] : memref<100000x128xf32, #tpu.memory_space<hbm>> -> memref<64x128xf32, #tpu.memory_space<hbm>>
    %dma_wait3A_127 = arith.constant 0 : i32
    %dma_wait3A_128 = arith.constant 0 : i32
    %dma_wait3A_129 = tpu.memref_slice %arg4[%dma_wait3A_127, %dma_wait3A_128] : memref<100000x128xf32, #tpu.memory_space<hbm>> -> memref<64x128xf32, #tpu.memory_space<hbm>>
    tpu.wait_dma2 semaphore(%arg35 : memref<!tpu.dma_semaphore, #tpu.memory_space<semaphore_mem>>) src(%arg15 : memref<64x128xf32, #tpu.memory_space<vmem>>) dst(%dma_wait3A_129 : memref<64x128xf32, #tpu.memory_space<hbm>>)
    %dma_wait3A_130 = arith.constant 0 : i32
    %dma_wait3A_131 = arith.constant 0 : i32
    %dma_wait3A_132 = tpu.memref_slice %arg4[%dma_wait3A_130, %dma_wait3A_131] : memref<100000x128xf32, #tpu.memory_space<hbm>> -> memref<64x128xf32, #tpu.memory_space<hbm>>
    %dma_wait3A_133 = arith.constant 0 : i32
    %dma_wait3A_134 = arith.constant 0 : i32
    %dma_wait3A_135 = tpu.memref_slice %arg4[%dma_wait3A_133, %dma_wait3A_134] : memref<100000x128xf32, #tpu.memory_space<hbm>> -> memref<64x128xf32, #tpu.memory_space<hbm>>
    tpu.wait_dma2 semaphore(%arg36 : memref<!tpu.dma_semaphore, #tpu.memory_space<semaphore_mem>>) src(%arg16 : memref<64x128xf32, #tpu.memory_space<vmem>>) dst(%dma_wait3A_135 : memref<64x128xf32, #tpu.memory_space<hbm>>)
    return
  }
}

</mosaic_0001>

<sc_bundles>
// kernel: kernel.3.cloned.1.call-start
scs
__scs_entry_jumppad:
0x0: {  	(pc) =	sbr.rel $0x88, $3  }
0x1: {  	(tag) =	ssettag $0x0;
	lr =	simm.s32 $0x1  }
0x2: {  	[smem:$0x3F9F] =	sst lr;
	_ =	strace $0xD0000000  }
0x3: {  	_ = 	snop  }
0x4: {  	_ = 	snop  }
0x5: {  	_ = 	snop  }
0x6: {  	_ = 	snop  }
0x7: {  	_ = 	snop  }
__scs_overlays_trampoline_lowered:
0x8: {  	[smem:$0x3FAE] =	sst s0  }
0x9: {  	[smem:$0x3FAF] =	sst s1  }
0xa: {  	[smem:$0x3FB0] =	sst s2  }
0xb: {  	[smem:$0x3FB1] =	sst s3  }
0xc: {  	[smem:$0x3FB2] =	sst s4  }
0xd: {  	[smem:$0x3FB3] =	sst s5  }
0xe: {  	[smem:$0x3FB4] =	sst s6  }
0xf: {  	[smem:$0x3FB5] =	sst s7  }
0x10: {  	[smem:$0x3FB6] =	sst s8  }
0x11: {  	[smem:$0x3FB7] =	sst s9;
	s0 =	simm.s32 @!p0 $0x0  }
0x12: {  	s1 =	sld [smem:$0x3F9D];
	s0 =	simm.s32 @p0 $0x1  }
0x13: {  	[smem:$0x3FB8] =	sst s0;
	s0 =	simm.s32 @!p1 $0x0  }
0x14: {  	s2 =	sld [smem:$0x3F9C];
	s0 =	simm.s32 @p1 $0x1  }
0x15: {  	[smem:$0x3FB9] =	sst s0;
	s0 =	simm.s32 @!p2 $0x0  }
0x16: {  	s3 =	sld [smem:$0x3FDB];
	s0 =	simm.s32 @p2 $0x1  }
0x17: {  	s4 =	simm.s32 $0x1BF5;
	[smem:$0x3FBB] =	sst s0  }
0x18: {  	s0 =	sld [smem:$0x3F9E];
	_ =	swait.ge [sflag:s4], $0x0  }
0x19: {  	s7 =	sld [smem:$0x3F9F]  }
0x1a: {  	s8 =	sadd.s32 $0xFFFFE003, lr  }
0x1b: {  	s9 =	sadd.s32 $0xFFFFFEF7, lr;
	s5 =	simm.s32 $0xFFFFFFFF;
	p2 =	slt.u32 s8, $0xFFFFF086  }
0x1c: {  	p1 =	slt.u32 s9, $0xF7A;
	s5 =	simm.s32 @!p2 $0x0  }
0x1d: {  	s5 =	simm.s32 @p1 $0x1;
	p0 =	seq.s32 s7, s2  }
0x1e: {  	s7 =	smul.u32 @!p0 $0xF7A, s2;
	p2 =	seq.s32 @!p0 s5, $0x0  }
0x1f: {  	s9 =	smul.u32 $0xF7A, s1;
	s8 =	simm.s32 @!p0 $0x1BF5;
	p2 =	por !p2, p0  }
0x20: {  	[sflag:s8] =	ssyncset.s32 @!p0 $0xFFFFF086;
	s6 =	sadd.s32 @!p0 s3, s7;
	s7 =	simm.s32 @!p0 $0x108  }
0x21: {  	s3 =	sadd.s32 s3, s9;
	s6 =	sadd.s32 @!p0 $0x88, s6;
	s7 =	simm.s32 @p2 $0x1082  }
0x22: {  	[simem:s7], [sflag:s8] =	dma.local @!p0 [hbm:s6], $0xF7A  }
0x23: {  	s9 =	sor.u32 $0xD0000000, s2;
	s6 =	simm.s32 $0x108;
	_ =	swait.ge @!p0 [sflag:s8], $0x0  }
0x24: {  	s3 =	sadd.s32 $0x88, s3;
	s6 =	simm.s32 @!p1 $0x1082;
	[sflag:s4] =	ssyncset.s32 $0xFFFFF086  }
0x25: {  	[simem:s6], [sflag:s4] =	dma.local [hbm:s3], $0xF7A  }
0x26: {  	[smem:$0x3F9F] =	sst s1;
	(tag) =	ssettag s2;
	_ =	strace s9  }
0x27: {  	s1 =	sld [smem:$0x3FAF]  }
0x28: {  	s2 =	sld [smem:$0x3FB0]  }
0x29: {  	s4 =	sld [smem:$0x3FB2]  }
0x2a: {  	p0 =	seq.s32 s5, $0x0;
	s5 =	sld [smem:$0x3FB3]  }
0x2b: {  	s6 =	sld [smem:$0x3FB4]  }
0x2c: {  	s7 =	sld [smem:$0x3FB5]  }
0x2d: {  	s3 =	simm.s32 $0x108;
	s8 =	sld [smem:$0x3FB6]  }
0x2e: {  	s3 =	simm.s32 @!p0 $0x1082;
	s9 =	sld [smem:$0x3FB7]  }
0x2f: {  	lr =	sadd.s32 s0, s3;
	s0 =	sld [smem:$0x3FAE]  }
0x30: {  	s3 =	sld [smem:$0x3FB1]  }
0x31: {  	[smem:$0x3FBA] =	sst s10  }
0x32: {  	s10 =	sld [smem:$0x3FB8];
	_ =	sdelay $0x3  }
0x33: {  	p0 =	seq.s32 s10, $0x1;
	s10 =	sld [smem:$0x3FBA];
	_ =	sdelay $0x3  }
0x34: {  	[smem:$0x3FBA] =	sst s10  }
0x35: {  	s10 =	sld [smem:$0x3FB9];
	_ =	sdelay $0x3  }
0x36: {  	p1 =	seq.s32 s10, $0x1;
	s10 =	sld [smem:$0x3FBA];
	_ =	sdelay $0x3  }
0x37: {  	[smem:$0x3FBA] =	sst s10  }
0x38: {  	s10 =	sld [smem:$0x3FBB]  }
0x39: {  	_ = 	snop;
	(pc) =	sbr.ind lr, $3  }
0x3a: {  	_ = 	snop  }
0x3b: {  	_ = 	snop  }
0x3c: {  	p2 =	seq.s32 s10, $0x1;
	s10 =	sld [smem:$0x3FBA]  }
0x3d: {  	_ =	shalt  }
0x3e: {  	_ =	shalt  }
0x3f: {  	_ =	shalt  }
0x40: {  	_ =	shalt  }
0x41: {  	_ =	shalt  }
0x42: {  	_ =	shalt  }
0x43: {  	_ =	shalt  }
0x44: {  	_ =	shalt  }
0x45: {  	_ =	shalt  }
0x46: {  	_ =	shalt  }
0x47: {  	_ =	shalt  }
0x48: {  	_ =	shalt  }
0x49: {  	_ =	shalt  }
0x4a: {  	_ =	shalt  }
0x4b: {  	_ =	shalt  }
0x4c: {  	_ =	shalt  }
0x4d: {  	_ =	shalt  }
0x4e: {  	_ =	shalt  }
0x4f: {  	_ =	shalt  }
0x50: {  	_ =	shalt  }
0x51: {  	_ =	shalt  }
0x52: {  	_ =	shalt  }
0x53: {  	_ =	shalt  }
0x54: {  	_ =	shalt  }
0x55: {  	_ =	shalt  }
0x56: {  	_ =	shalt  }
0x57: {  	_ =	shalt  }
0x58: {  	_ =	shalt  }
0x59: {  	_ =	shalt  }
0x5a: {  	_ =	shalt  }
0x5b: {  	_ =	shalt  }
0x5c: {  	_ =	shalt  }
0x5d: {  	_ =	shalt  }
0x5e: {  	_ =	shalt  }
0x5f: {  	_ =	shalt  }
0x60: {  	_ =	shalt  }
0x61: {  	_ =	shalt  }
0x62: {  	_ =	shalt  }
0x63: {  	_ =	shalt  }
0x64: {  	_ =	shalt  }
0x65: {  	_ =	shalt  }
0x66: {  	_ =	shalt  }
0x67: {  	_ =	shalt  }
0x68: {  	_ =	shalt  }
0x69: {  	_ =	shalt  }
0x6a: {  	_ =	shalt  }
0x6b: {  	_ =	shalt  }
0x6c: {  	_ =	shalt  }
0x6d: {  	_ =	shalt  }
0x6e: {  	_ =	shalt  }
0x6f: {  	_ =	shalt  }
0x70: {  	_ =	shalt  }
0x71: {  	_ =	shalt  }
0x72: {  	_ =	shalt  }
0x73: {  	_ =	shalt  }
0x74: {  	_ =	shalt  }
0x75: {  	_ =	shalt  }
0x76: {  	_ =	shalt  }
0x77: {  	_ =	shalt  }
0x78: {  	_ =	shalt  }
0x79: {  	_ =	shalt  }
0x7a: {  	_ =	shalt  }
0x7b: {  	_ =	shalt  }
0x7c: {  	_ =	shalt  }
0x7d: {  	_ =	shalt  }
0x7e: {  	_ =	shalt  }
0x7f: {  	_ =	shalt  }
0x80: {  	_ =	shalt  }
0x81: {  	_ =	shalt  }
0x82: {  	_ =	shalt  }
0x83: {  	_ =	shalt  }
0x84: {  	_ =	shalt  }
0x85: {  	_ =	shalt  }
0x86: {  	_ =	shalt  }
0x87: {  	_ =	shalt  }
.Lfunc_end0:
.L_simem_size_0:
called_computation_lowered:
.L_overlay_start_0:
0x88: {  	s2 =	sld [smem:$0x3FD9]  }
0x89: {  	s3 =	sld [smem:$0x3FFE];
	_ =	sdelay $0x1  }
0x8a: {  	s1 =	srdreg.scid  }
0x8b: {  	s0 =	sand.u32 $0x1, s1  }
0x8c: {  	s18 =	sshll.u32 s0, $0xA;
	s2 =	sadd.s32 s3, s2  }
0x8d: {  	s2 =	sadd.s32 s2, s18  }
0x8e: {  	[smem:$0x3FC6] =	sst s2  }
0x8f: {  	_ = 	snop  }
0x90: {  	s2 =	sld [smem:$0x3FC9]  }
0x91: {  	s19 =	sld [smem:$0x3FC8]  }
0x92: {  	s4 =	sld [smem:$0x3FD0];
	(tm) =	ssettm $0x1  }
0x93: {  	s5 =	sld [smem:$0x3FFB];
	_ =	sdelay $0x3  }
0x94: {  	_ =	strace s5  }
0x95: {  	s5 =	sld [smem:$0x3FFC];
	_ =	sdelay $0x3  }
0x96: {  	_ =	strace s5  }
0x97: {  	s5 =	sld [smem:$0x3FFD];
	_ =	sdelay $0x3  }
0x98: {  	_ =	strace s5  }
0x99: {  	_ =	strace $0x8FFFFFFF  }
0x9a: {  	s20 =	sld [smem:$0x3FDB];
	_ =	sdelay $0x1  }
0x9b: {  	s6 =	simm.s32 $_scs_section_size  }
0x9c: {  	s7 =	simm.s32 $_size__tile_overlayer_lowered;
	s8 =	simm.s32 $_tile_overlayer_lowered  }
0x9d: {  	s23 =	simm.s32 $0x1BFF;
	s22 =	sshll.u32 s8, $0x1;
	s5 =	sadd.s32 s6, s20  }
0x9e: {  	s9 =	simm.s32 $0x0;
	s21 =	sshll.u32 s7, $0x1;
	s7 =	sadd.s32 s22, s5  }
0x9f: {  	[timem:s9], [sflag:s23] =	dma.local [hbm:s7], s21  }
0xa0: {  	_ =	swait.ge [sflag:s23], s21  }
0xa1: {  	s6 =	ssub.s32 $0x0, s21;
	[sflag:s23] =	ssyncset.done $0x0  }
0xa2: {  	[sflag:s23] =	ssyncadd.s32 s6;
	_ =	sdelay $0x1  }
0xa3: {  	s24 =	simm.s32 $0x1B8B  }
0xa4: {  	_ =	swait.ge [sflag:s24], $0x1  }
0xa5: {  	[sflag:s24] =	ssyncset.done $0x0  }
0xa6: {  	s25 =	simm.s32 $0x1B8E;
	[sflag:s24] =	ssyncadd.s32 $0xFFFFFFFF  }
0xa7: {  	s26 =	simm.s32 $execute0_lowered;
	[smem:$0x3FD2] =	sst s25  }
0xa8: {  	s6 =	sshll.u32 s26, $0x1;
	_ =	strace $0x80000046;
	[dreg:$0x1] =	wrdreg $0xFFFFFFFF  }
0xa9: {  	s28 =	simm.s32 $_size_execute0_lowered;
	s5 =	sadd.s32 s5, s6;
	[dreg:$0x0] =	wrdreg $0x0  }
0xaa: {  	s6 =	sshll.u32 s28, $0x1;
	[dreg:$0x2] =	wrdreg s5  }
0xab: {  	[dreg:$0x3] =	wrdreg s6  }
0xac: {  	[dreg:$0x4] =	wrdreg $0xC0  }
0xad: {  	_ =	task [dreg:s9], $0x5FFFF  }
0xae: {  	[dreg:$0x1] =	wrdreg $0xFFFFFFFF  }
0xaf: {  	[dreg:$0x0] =	wrdreg $0x60  }
0xb0: {  	[dreg:$0x2] =	wrdreg s2  }
0xb1: {  	[dreg:$0x3] =	wrdreg s19  }
0xb2: {  	[dreg:$0x4] =	wrdreg s4  }
0xb3: {  	[dreg:$0x5] =	wrdreg $0xC800  }
0xb4: {  	[dreg:$0x6] =	wrdreg $0x9  }
0xb5: {  	_ =	task.clear_ibuf [dreg:s9], $0x7FFFF;
	_ =	strace $0x90000046  }
0xb6: {  	s29 =	simm.s32 $0x9;
	_ =	strace $0x80000048  }
0xb7: {  	_ =	swait.ge [sflag:s29], $0x1  }
0xb8: {  	[sflag:s29] =	ssyncadd.s32 $0xFFFFFFFF  }
0xb9: {  	_ =	strace $0x90000048  }
0xba: {  	_ =	sfence  }
0xbb: {  	s30 =	sld [smem:$0x0];
	_ =	sdelay $0x2  }
0xbc: {  	s31 =	sshll.u32 s1, $0xD;
	s1 =	sshrl.u32 s1, $0x2  }
0xbd: {  	s3 =	sand.u32 $0x4000, s31;
	s1 =	sadd.s32 s1, s30  }
0xbe: {  	s0 =	sor.u32 s3, s0;
	s1 =	sshll.u32 s1, $0x11  }
0xbf: {  	s0 =	sor.u32 s1, s0  }
0xc0: {  	s0 =	sadd.s32 $0x8F2B, s0  }
0xc1: {  	[sflag:s0] =	ssyncadd.remote.s32 $0x1  }
0xc2: {  	_ =	sfence.sel $0xFFFF  }
0xc3: {  	[dreg:$0x0] =	wrdreg $0xFFFFFFFF;
	(pc) =	sbr.abs _section_cstart, $3  }
0xc4: {  	[dreg:$0x1] =	wrdreg $0xFFFFFFFF  }
0xc5: {  	_ =	task.clear_ibuf [dreg:s9], $0x2FFFF;
	_ =	strace $0x9FFFFFFF  }
0xc6: {  	(tm) =	ssettm $0x7FFFFFFF  }
0xc7: {  	_ =	shalt  }
tec
execute0_lowered:
.L_overlay_start_1:
0x0: {  	(tag) =	ssettag $0x1  }
0x1: {  	s0 =	srdreg.scid;
	s4 =	rddreg [dreg:$0x0]  }
0x2: {  	s1 =	stileid.u32;
	s6 =	rddreg [dreg:$0x2];
	s9 =	simm.s32 $0x40  }
0x3: {  	s19 =	simm.s32 $0xFA0;
	s21 =	simm.s32 $0x2FA0;
	s23 =	simm.s32 $0x4FA0  }
0x4: {  	s28 =	simm.s32 $0x8FA0;
	s22 =	simm.s32 $0xAFA0;
	s24 =	simm.s32 $0xCFA0  }
0x5: {  	s29 =	simm.s32 $0x1;
	s30 =	simm.s32 $0x2;
	s31 =	simm.s32 $0x3  }
0x6: {  	s12 =	simm.s32 $0x6;
	s14 =	simm.s32 $0x7;
	s16 =	simm.s32 $0x8  }
0x7: {  	s18 =	simm.s32 $0x9;
	s20 =	simm.s32 $0xA;
	s10 =	simm.s32 $0x13  }
0x8: {  	s11 =	simm.s32 $0x14;
	s15 =	simm.s32 $0x0;
	s0 =	sand.u32 $0x1, s0  }
0x9: {  	s3 =	smul.u32 $0x5E88, s1;
	s2 =	sshll.u32 s1, $0x1;
	p0 =	sne.s32 s1, $0x0  }
0xa: {  	s1 =	simm.s32 $0x4;
	s5 =	smul.u32 $0x2F44, s0;
	s7 =	sor.u32 s0, s2  }
0xb: {  	s2 =	rddreg [dreg:$0x3];
	s0 =	ssub.s32 $0x2, s0;
	s7 =	smul.u32 $0x2F44, s7  }
0xc: {  	s8 =	sshrl.u32 s0, $0x1;
	s5 =	sadd.s32 s5, s3;
	s3 =	simm.s32 $0x0  }
0xd: {  	s0 =	ssub.s32 s0, s8;
	s8 =	simm.s32 $0x12;
	s5 =	smulhi.u32 $0x8421085, s5  }
0xe: {  	[smem:$0x7FF] =	sst s3;
	s7 =	smulhi.u32 $0x8421085, s7;
	s0 =	smax.u32 s0, $0x1  }
0xf: {  	_ =	strace $0x80000047;
	[dreg:$0x6] =	wrdreg s0;
	s0 =	sshrl.u32 @!p0 s2, $0x3  }
.Ltmp0:
0x10: {  	s5 =	sshll.u32 s5, $0x7;
	s4 =	sadd.s32 s4, s7;
	(pc) =	sbr.rel .LBB2_1-.Ltmp0, $4  }
0x11: {  	[dreg:$0x8] =	wrdreg s0;
	s7 =	simm.s32 $0x12FA0;
	s0 =	simm.s32 $0x5  }
0x12: {  	[dreg:$0x5] =	wrdreg s4;
	s25 =	sadd.s32 s5, s6;
	s4 =	simm.s32 $0xEFA0  }
0x13: {  	s5 =	simm.s32 $0x10FA0;
	s6 =	simm.s32 $0x11;
	s26 =	sadd.s32 $0x2400, s25  }
0x14: {  	s25 =	simm.s32 $0x6FA0;
	[dreg:$0x7] =	wrdreg s26;
	s26 =	simm.s32 $0xCFA0  }
.LBB2_5:
0x15: {  	s13 =	simm.s32 $0xB  }
0x16: {  	_ =	swait.ge [sflag:s13], $0x2000  }
0x17: {  	[sflag:s13] =	ssyncset.done $0x0  }
0x18: {  	s15 =	simm.s32 $0xC;
	[sflag:s13] =	ssyncadd.s32 $0xFFFFE000  }
0x19: {  	_ =	swait.ge [sflag:s15], $0x2000  }
0x1a: {  	[sflag:s15] =	ssyncset.done $0x0  }
0x1b: {  	s17 =	simm.s32 $0xD;
	[sflag:s15] =	ssyncadd.s32 $0xFFFFE000  }
0x1c: {  	_ =	swait.ge [sflag:s17], $0x2000  }
0x1d: {  	[sflag:s17] =	ssyncset.done $0x0  }
0x1e: {  	s15 =	simm.s32 $0xE;
	[sflag:s17] =	ssyncadd.s32 $0xFFFFE000  }
0x1f: {  	_ =	swait.ge [sflag:s15], $0x2000  }
0x20: {  	[sflag:s15] =	ssyncset.done $0x0  }
0x21: {  	s17 =	simm.s32 $0xF;
	[sflag:s15] =	ssyncadd.s32 $0xFFFFE000  }
0x22: {  	_ =	swait.ge [sflag:s17], $0x2000  }
0x23: {  	[sflag:s17] =	ssyncset.done $0x0  }
0x24: {  	s15 =	simm.s32 $0x10;
	[sflag:s17] =	ssyncadd.s32 $0xFFFFE000  }
0x25: {  	_ =	swait.ge [sflag:s15], $0x2000  }
0x26: {  	[sflag:s15] =	ssyncset.done $0x0  }
0x27: {  	[sflag:s15] =	ssyncadd.s32 $0xFFFFE000  }
0x28: {  	_ =	swait.ge [sflag:s6], $0x2000  }
0x29: {  	[sflag:s6] =	ssyncset.done $0x0  }
0x2a: {  	[sflag:s6] =	ssyncadd.s32 $0xFFFFE000  }
0x2b: {  	_ =	swait.ge [sflag:s8], $0x2000  }
0x2c: {  	[sflag:s8] =	ssyncset.done $0x0  }
0x2d: {  	[sflag:s8] =	ssyncadd.s32 $0xFFFFE000  }
0x2e: {  	_ =	swait.ge [sflag:s10], $0x2000  }
0x2f: {  	[sflag:s10] =	ssyncset.done $0x0  }
0x30: {  	[sflag:s10] =	ssyncadd.s32 $0xFFFFE000  }
0x31: {  	_ =	swait.ge [sflag:s11], $0x2000  }
0x32: {  	s15 =	rddreg [dreg:$0x9]  }
0x33: {  	s17 =	rddreg [dreg:$0x6];
	s15 =	sadd.s32 $0x1, s15  }
0x34: {  	p1 =	sne.s32 s15, s17  }
.Ltmp1:
0x35: {  	_ = 	snop;
	(pc) =	sbr.rel @!p1 .LBB2_6-.Ltmp1, $3  }
0x36: {  	_ =	sdelay $0x1  }
0x37: {  	[sflag:s11] =	ssyncset.done $0x0  }
0x38: {  	[sflag:s11] =	ssyncadd.s32 $0xFFFFE000  }
.LBB2_1:
0x39: {  	[dreg:$0x9] =	wrdreg s15  }
0x3a: {  	s15 =	rddreg [dreg:$0x1]  }
0x3b: {  	s13 =	simm.s32 @!p0 $0x1C15;
	s17 =	rddreg [dreg:$0x8]  }
0x3c: {  	[spmem:s17], [sflag:s13] =	dma.local @!p0 [hbm:s15], $0x640  }
0x3d: {  	s13 =	simm.s32 @!p0 $0x15  }
0x3e: {  	_ =	swait.ge @!p0 [sflag:s13], $0x640  }
0x3f: {  	[sflag:s13] =	ssyncset.done @!p0 $0x0  }
0x40: {  	s17 =	simm.s32 $0x15;
	s15 =	rddreg [dreg:$0x5];
	[sflag:s13] =	ssyncadd.s32 @!p0 $0xFFFFF9C0  }
0x41: {  	[tilespmem:s3], [sflag:$0x15] =	stream.linear.gather [hbm4b:s15+s3], $0xC80, $0x38;
	[tilespmem:$0x14FA0] =	vst v63  }
0x42: {  	_ =	swait.ge [sflag:s17], $0xC80  }
0x43: {  	[sflag:s17] =	ssyncset.done $0x0  }
0x44: {  	[sflag:s17] =	ssyncadd.s32 $0xFFFFF380  }
0x45: {  	[bflag:$0x0] =	sbarrier.arrive $0xFFFF  }
0x46: {  	[tilespmem:s19], [sflag:$0x1] =	stream.indirect.gather [spmem:s2], $0x80, s3, s9, $0xb8;
	[tilespmem:$0x14FA0] =	vst v63  }
0x47: {  	_ = 	snop  }
0x48: {  	[tilespmem:s21], [sflag:$0x2] =	stream.indirect.gather [spmem:s2], $0x80, s9, s9, $0xb8;
	[tilespmem:$0x14FA0] =	vst v63  }
0x49: {  	s21 =	simm.s32 $0x80  }
0x4a: {  	[tilespmem:s23], [sflag:$0x3] =	stream.indirect.gather [spmem:s2], $0x80, s21, s9, $0xb8;
	[tilespmem:$0x14FA0] =	vst v63  }
0x4b: {  	s15 =	simm.s32 $0xC0  }
0x4c: {  	[tilespmem:s25], [sflag:$0x4] =	stream.indirect.gather [spmem:s2], $0x80, s15, s9, $0xb8;
	[tilespmem:$0x14FA0] =	vst v63  }
0x4d: {  	s17 =	simm.s32 $0x100  }
0x4e: {  	[tilespmem:s28], [sflag:$0x5] =	stream.indirect.gather [spmem:s2], $0x80, s17, s9, $0xb8;
	[tilespmem:$0x14FA0] =	vst v63  }
0x4f: {  	s21 =	simm.s32 $0x140  }
0x50: {  	[tilespmem:s22], [sflag:$0x6] =	stream.indirect.gather [spmem:s2], $0x80, s21, s9, $0xb8;
	[tilespmem:$0x14FA0] =	vst v63  }
0x51: {  	s23 =	simm.s32 $0x180  }
0x52: {  	[tilespmem:s24], [sflag:$0x7] =	stream.indirect.gather [spmem:s2], $0x80, s23, s9, $0xb8;
	[tilespmem:$0x14FA0] =	vst v63  }
0x53: {  	s24 =	simm.s32 $0x1C0  }
0x54: {  	[tilespmem:s4], [sflag:$0x8] =	stream.indirect.gather [spmem:s2], $0x80, s24, s9, $0xb8;
	[tilespmem:$0x14FA0] =	vst v63  }
.Ltmp2:
0x55: {  	_ = 	snop;
	(pc) =	sbr.rel .LBB2_2-.Ltmp2, $4  }
0x56: {  	s25 =	simm.s32 $0x200  }
0x57: {  	[tilespmem:s5], [sflag:$0x9] =	stream.indirect.gather [spmem:s2], $0x80, s25, s9, $0xb8;
	[tilespmem:$0x14FA0] =	vst v63  }
0x58: {  	s13 =	rddreg [dreg:$0x7];
	s15 =	simm.s32 $0x0;
	s28 =	simm.s32 $0x240  }
0x59: {  	[tilespmem:s7], [sflag:$0xA] =	stream.indirect.gather [spmem:s2], $0x80, s28, s9, $0xb8;
	[tilespmem:$0x14FA0] =	vst v63  }
.LBB2_4:
0x5a: {  	_ =	swait.ge [sflag:s29], $0x2000  }
0x5b: {  	[sflag:s29] =	ssyncset.done $0x0  }
0x5c: {  	s17 =	sadd.s32 $0xFFFFDC00, s13;
	[sflag:s29] =	ssyncadd.s32 $0xFFFFE000  }
0x5d: {  	[hbm4b:s17+s3] =	stream.linear.scatter [tilespmem:s19], [sflag:$0xB], $0x2000, $0x38;
	[tilespmem:$0x14FA0] =	vst v63  }
0x5e: {  	_ =	swait.ge [sflag:s30], $0x2000  }
0x5f: {  	[sflag:s30] =	ssyncset.done $0x0  }
0x60: {  	s17 =	sadd.s32 $0xFFFFE000, s13;
	[sflag:s30] =	ssyncadd.s32 $0xFFFFE000  }
0x61: {  	[hbm4b:s17+s3] =	stream.linear.scatter [tilespmem:s23], [sflag:$0xC], $0x2000, $0x38;
	[tilespmem:$0x14FA0] =	vst v63  }
0x62: {  	_ =	swait.ge [sflag:s31], $0x2000  }
0x63: {  	[sflag:s31] =	ssyncset.done $0x0  }
0x64: {  	s23 =	sadd.s32 $0xFFFFE400, s13;
	[sflag:s31] =	ssyncadd.s32 $0xFFFFE000  }
0x65: {  	[hbm4b:s23+s3] =	stream.linear.scatter [tilespmem:s25], [sflag:$0xD], $0x2000, $0x38;
	[tilespmem:$0x14FA0] =	vst v63  }
0x66: {  	_ =	swait.ge [sflag:s1], $0x2000  }
0x67: {  	[sflag:s1] =	ssyncset.done $0x0  }
0x68: {  	s23 =	sadd.s32 $0xFFFFE800, s13;
	[sflag:s1] =	ssyncadd.s32 $0xFFFFE000  }
0x69: {  	[hbm4b:s23+s3] =	stream.linear.scatter [tilespmem:s28], [sflag:$0xE], $0x2000, $0x38;
	[tilespmem:$0x14FA0] =	vst v63  }
0x6a: {  	_ =	swait.ge [sflag:s0], $0x2000  }
0x6b: {  	[sflag:s0] =	ssyncset.done $0x0  }
0x6c: {  	s25 =	sadd.s32 $0xFFFFEC00, s13;
	[sflag:s0] =	ssyncadd.s32 $0xFFFFE000  }
0x6d: {  	[hbm4b:s25+s3] =	stream.linear.scatter [tilespmem:s22], [sflag:$0xF], $0x2000, $0x38;
	[tilespmem:$0x14FA0] =	vst v63  }
0x6e: {  	_ =	swait.ge [sflag:s12], $0x2000  }
0x6f: {  	[sflag:s12] =	ssyncset.done $0x0  }
0x70: {  	s22 =	sadd.s32 $0xFFFFF000, s13;
	[sflag:s12] =	ssyncadd.s32 $0xFFFFE000  }
0x71: {  	[hbm4b:s22+s3] =	stream.linear.scatter [tilespmem:s24], [sflag:$0x10], $0x2000, $0x38;
	[tilespmem:$0x14FA0] =	vst v63  }
0x72: {  	_ =	swait.ge [sflag:s14], $0x2000  }
0x73: {  	[sflag:s14] =	ssyncset.done $0x0  }
0x74: {  	s23 =	sadd.s32 $0xFFFFF400, s13;
	[sflag:s14] =	ssyncadd.s32 $0xFFFFE000  }
0x75: {  	[hbm4b:s23+s3] =	stream.linear.scatter [tilespmem:s26], [sflag:$0x11], $0x2000, $0x38;
	[tilespmem:$0x14FA0] =	vst v63  }
0x76: {  	_ =	swait.ge [sflag:s16], $0x2000  }
0x77: {  	[sflag:s16] =	ssyncset.done $0x0  }
0x78: {  	s24 =	sadd.s32 $0xFFFFF800, s13;
	[sflag:s16] =	ssyncadd.s32 $0xFFFFE000  }
0x79: {  	[hbm4b:s24+s3] =	stream.linear.scatter [tilespmem:s4], [sflag:$0x12], $0x2000, $0x38;
	[tilespmem:$0x14FA0] =	vst v63  }
0x7a: {  	s15 =	sadd.s32 $0xA00, s15;
	_ =	swait.ge [sflag:s18], $0x2000  }
0x7b: {  	s21 =	simm.s32 $0x2FA0;
	p1 =	sne.s32 s15, $0x3200;
	[sflag:s18] =	ssyncset.done $0x0  }
0x7c: {  	s28 =	simm.s32 $0x8FA0;
	s25 =	sadd.s32 $0xFFFFFC00, s13;
	[sflag:s18] =	ssyncadd.s32 $0xFFFFE000  }
0x7d: {  	[hbm4b:s25+s3] =	stream.linear.scatter [tilespmem:s5], [sflag:$0x13], $0x2000, $0x38;
	[tilespmem:$0x14FA0] =	vst v63  }
.Ltmp3:
0x7e: {  	s22 =	simm.s32 $0xAFA0;
	_ =	swait.ge [sflag:s20], $0x2000;
	(pc) =	sbr.rel @!p1 .LBB2_5-.Ltmp3, $4  }
0x7f: {  	s23 =	simm.s32 $0x4FA0;
	s24 =	simm.s32 $0xCFA0;
	[sflag:s20] =	ssyncset.done $0x0  }
0x80: {  	s4 =	simm.s32 $0xEFA0;
	s25 =	simm.s32 $0x6FA0;
	[sflag:s20] =	ssyncadd.s32 $0xFFFFE000  }
0x81: {  	[hbm4b:s13+s3] =	stream.linear.scatter [tilespmem:s7], [sflag:$0x14], $0x2000, $0x38;
	[tilespmem:$0x14FA0] =	vst v63  }
0x82: {  	s5 =	simm.s32 $0x10FA0;
	s13 =	sadd.s32 $0x2800, s13;
	s7 =	simm.s32 $0x12FA0  }
.LBB2_2:
0x83: {  	p1 =	seq.s32 s15, $0x0  }
.Ltmp4:
0x84: {  	_ = 	snop;
	(pc) =	sbr.rel @p1 .LBB2_4-.Ltmp4, $4  }
0x85: {  	_ = 	snop  }
0x86: {  	s4 =	simm.s32 $0xEFA0;
	s5 =	simm.s32 $0x10FA0  }
0x87: {  	s7 =	simm.s32 $0x12FA0;
	s24 =	simm.s32 $0xAFA0;
	s22 =	simm.s32 $0x8FA0  }
0x88: {  	s28 =	simm.s32 $0x6FA0;
	s25 =	simm.s32 $0x4FA0;
	s23 =	simm.s32 $0x2FA0  }
0x89: {  	s17 =	simm.s32 $0xB  }
0x8a: {  	_ =	swait.ge [sflag:s17], $0x2000  }
0x8b: {  	[sflag:s17] =	ssyncset.done $0x0  }
0x8c: {  	s21 =	simm.s32 $0xC;
	[sflag:s17] =	ssyncadd.s32 $0xFFFFE000;
	s17 =	sshra.s32 s15, $0x2  }
0x8d: {  	[tilespmem:s19], [sflag:$0x1] =	stream.indirect.gather [spmem:s2], $0x80, s17, s9, $0xb8;
	[tilespmem:$0x14FA0] =	vst v63  }
0x8e: {  	_ =	swait.ge [sflag:s21], $0x2000  }
0x8f: {  	[sflag:s21] =	ssyncset.done $0x0  }
0x90: {  	[sflag:s21] =	ssyncadd.s32 $0xFFFFE000;
	s21 =	sadd.s32 $0x40, s17  }
0x91: {  	[tilespmem:s23], [sflag:$0x2] =	stream.indirect.gather [spmem:s2], $0x80, s21, s9, $0xb8;
	[tilespmem:$0x14FA0] =	vst v63  }
0x92: {  	s21 =	simm.s32 $0xD  }
0x93: {  	_ =	swait.ge [sflag:s21], $0x2000  }
0x94: {  	[sflag:s21] =	ssyncset.done $0x0  }
0x95: {  	[sflag:s21] =	ssyncadd.s32 $0xFFFFE000;
	s21 =	sadd.s32 $0x80, s17  }
0x96: {  	[tilespmem:s25], [sflag:$0x3] =	stream.indirect.gather [spmem:s2], $0x80, s21, s9, $0xb8;
	[tilespmem:$0x14FA0] =	vst v63  }
0x97: {  	s21 =	simm.s32 $0xE  }
0x98: {  	_ =	swait.ge [sflag:s21], $0x2000  }
0x99: {  	[sflag:s21] =	ssyncset.done $0x0  }
0x9a: {  	[sflag:s21] =	ssyncadd.s32 $0xFFFFE000;
	s21 =	sadd.s32 $0xC0, s17  }
0x9b: {  	[tilespmem:s28], [sflag:$0x4] =	stream.indirect.gather [spmem:s2], $0x80, s21, s9, $0xb8;
	[tilespmem:$0x14FA0] =	vst v63  }
0x9c: {  	s21 =	simm.s32 $0xF  }
0x9d: {  	_ =	swait.ge [sflag:s21], $0x2000  }
0x9e: {  	[sflag:s21] =	ssyncset.done $0x0  }
0x9f: {  	[sflag:s21] =	ssyncadd.s32 $0xFFFFE000;
	s21 =	sadd.s32 $0x100, s17  }
0xa0: {  	[tilespmem:s22], [sflag:$0x5] =	stream.indirect.gather [spmem:s2], $0x80, s21, s9, $0xb8;
	[tilespmem:$0x14FA0] =	vst v63  }
0xa1: {  	s21 =	simm.s32 $0x10  }
0xa2: {  	_ =	swait.ge [sflag:s21], $0x2000  }
0xa3: {  	[sflag:s21] =	ssyncset.done $0x0  }
0xa4: {  	[sflag:s21] =	ssyncadd.s32 $0xFFFFE000;
	s21 =	sadd.s32 $0x140, s17  }
0xa5: {  	[tilespmem:s24], [sflag:$0x6] =	stream.indirect.gather [spmem:s2], $0x80, s21, s9, $0xb8;
	[tilespmem:$0x14FA0] =	vst v63  }
0xa6: {  	_ =	swait.ge [sflag:s6], $0x2000  }
0xa7: {  	[sflag:s6] =	ssyncset.done $0x0  }
0xa8: {  	s21 =	sadd.s32 $0x180, s17;
	[sflag:s6] =	ssyncadd.s32 $0xFFFFE000  }
0xa9: {  	[tilespmem:s26], [sflag:$0x7] =	stream.indirect.gather [spmem:s2], $0x80, s21, s9, $0xb8;
	[tilespmem:$0x14FA0] =	vst v63  }
0xaa: {  	_ =	swait.ge [sflag:s8], $0x2000  }
0xab: {  	[sflag:s8] =	ssyncset.done $0x0  }
0xac: {  	s21 =	sadd.s32 $0x1C0, s17;
	[sflag:s8] =	ssyncadd.s32 $0xFFFFE000  }
0xad: {  	[tilespmem:s4], [sflag:$0x8] =	stream.indirect.gather [spmem:s2], $0x80, s21, s9, $0xb8;
	[tilespmem:$0x14FA0] =	vst v63  }
0xae: {  	_ =	swait.ge [sflag:s10], $0x2000  }
0xaf: {  	[sflag:s10] =	ssyncset.done $0x0  }
0xb0: {  	s21 =	sadd.s32 $0x200, s17;
	[sflag:s10] =	ssyncadd.s32 $0xFFFFE000  }
0xb1: {  	[tilespmem:s5], [sflag:$0x9] =	stream.indirect.gather [spmem:s2], $0x80, s21, s9, $0xb8;
	[tilespmem:$0x14FA0] =	vst v63  }
.Ltmp5:
0xb2: {  	_ = 	snop;
	(pc) =	sbr.rel .LBB2_4-.Ltmp5, $4  }
0xb3: {  	_ =	swait.ge [sflag:s11], $0x2000  }
0xb4: {  	[sflag:s11] =	ssyncset.done $0x0  }
0xb5: {  	s19 =	simm.s32 $0xFA0;
	s17 =	sadd.s32 $0x240, s17;
	[sflag:s11] =	ssyncadd.s32 $0xFFFFE000  }
0xb6: {  	[tilespmem:s7], [sflag:$0xA] =	stream.indirect.gather [spmem:s2], $0x80, s17, s9, $0xb8;
	[tilespmem:$0x14FA0] =	vst v63  }
.LBB2_6:
0xb7: {  	_ =	sfence.sel $0x180000  }
0xb8: {  	[bflag:$0x0] =	sbarrier.arrive $0xFFFF  }
0xb9: {  	_ =	strace $0x90000047  }
0xba: {  	[bflag:$0x2] =	sbarrier.arrive $0xFFFF  }
0xbb: {  	s0 =	rddreg [dreg:$0x4]  }
0xbc: {  	s0 =	sadd.s32 @!p0 $0x100000, s0  }
0xbd: {  	[sflag:s0] =	ssyncadd.tile.s32 @!p0 $0x1;
	_ =	shalt  }
.Lfunc_end2:
_tile_overlayer_lowered:
.L_overlay_start_2:
0xbe: {  	(tag) =	ssettag $0x2  }
0xbf: {  	s0 =	rddreg [dreg:$0x0];
	s2 =	stileid.u32  }
0xc0: {  	s1 =	rddreg [dreg:$0x1];
	p0 =	sne.s32 s2, $0x0  }
0xc1: {  	s3 =	rddreg [dreg:$0x2];
	[bflag:$0x3] =	sbarrier.arrive $0xFFFF;
	s2 =	simm.s32 @!p0 $0x1C15  }
0xc2: {  	[timem:s3], [sflag:s2] =	dma.local @!p0 [hbm:s0], s1  }
0xc3: {  	s0 =	simm.s32 @!p0 $0x15  }
0xc4: {  	_ =	swait.ge @!p0 [sflag:s0], s1  }
0xc5: {  	s1 =	ssub.s32 @!p0 $0x0, s1;
	[sflag:s0] =	ssyncset.done @!p0 $0x0  }
0xc6: {  	[sflag:s0] =	ssyncadd.s32 @!p0 s1  }
0xc7: {  	[bflag:$0x3] =	sbarrier.arrive $0xFFFF  }
0xc8: {  	_ =	shalt  }

</sc_bundles>
